<compile_context>
chip_gen: v7x
topology: tpu7x:2x2x1
jax: 0.10.2.dev20260603
libtpu: 0.0.44.dev20260713+nightly
codegen_flags: <defaults>
</compile_context>

<pallas_src>
import jax
import jax.numpy as jnp
from jax import lax
from jax.experimental import pallas as pl
from jax.experimental.pallas import tpu as pltpu
from jax.experimental.pallas import tpu_sc as plsc

NUM_CORES = 2
NUM_SUBCORES = 16
LANES = 16
TILES = NUM_CORES * NUM_SUBCORES

_MESH = dict(core_axis_name="c", subcore_axis_name="s")
_CP = pltpu.CompilerParams(needs_layout_passes=False, use_tc_tiling_on_sc=True)


def _wid():
    return lax.axis_index("s") * NUM_CORES + lax.axis_index("c")


def _iota16():
    return lax.iota(jnp.int32, LANES)


def _pad128_body(in_ref, out_ref):
    tt = in_ref[...].T
    out_ref[...] = jnp.concatenate([tt, tt], axis=1)


def _tc_pad128(src_t, bn):
    d, n = src_t.shape
    return pl.pallas_call(
        _pad128_body,
        out_shape=jax.ShapeDtypeStruct((n, 128), jnp.float32),
        in_specs=[pl.BlockSpec((d, bn), lambda i: (0, i))],
        out_specs=pl.BlockSpec((bn, 128), lambda i: (i, 0)),
        grid=(pl.cdiv(n, bn),),
    )(src_t)


def _unpad_body(in_ref, out_ref):
    out_ref[...] = in_ref[:, 0:64].T


def _tc_unpad(tab, bn):
    n = tab.shape[0]
    return pl.pallas_call(
        _unpad_body,
        out_shape=jax.ShapeDtypeStruct((64, n), jnp.float32),
        in_specs=[pl.BlockSpec((bn, 128), lambda i: (i, 0))],
        out_specs=pl.BlockSpec((64, bn), lambda i: (0, i)),
        grid=(pl.cdiv(n, bn),),
    )(tab)


def _make_k2(B, bpt, nchunk):
    nb16 = bpt // LANES

    @pl.kernel(
        out_type=(
            jax.ShapeDtypeStruct((B, 64), jnp.float32),
            jax.ShapeDtypeStruct((B,), jnp.int32),
        ),
        mesh=plsc.VectorSubcoreMesh(**_MESH),
        scratch_types=[
            pltpu.VMEM((bpt,), jnp.int32),
            pltpu.VMEM((bpt,), jnp.int32),
            pltpu.VMEM((bpt,), jnp.int32),
            pltpu.VMEM((nchunk, 128), jnp.int32),
            pltpu.VMEM((128, 128), jnp.float32),
            pltpu.VMEM((bpt, 64), jnp.float32),
            pltpu.SemaphoreType.DMA,
        ],
        compiler_params=_CP,
    )
    def k2(t_hbm, comb_hbm, x64_hbm, emb_ref, out_hbm, eout_hbm,
           t_v, cm_v, ic_v, safe_v, rows_v, x_v, sem):
        w = _wid()
        base = pl.multiple_of(w * bpt, 8)
        pltpu.sync_copy(t_hbm.at[pl.ds(base, bpt)], t_v)
        pltpu.async_copy(x64_hbm.at[pl.ds(base, bpt)], x_v, sem).wait()

        for c in range(nchunk):
            pltpu.async_copy(comb_hbm.at[t_v.at[pl.ds(c * 128, 128)]],
                             cm_v.at[pl.ds(c * 128, 128)], sem).wait()

        @pl.loop(0, nb16)
        def _(c):
            off = c * LANES
            cm16 = cm_v[pl.ds(off, LANES)]
            e16 = cm16 >> 1
            ic = cm16 & 1
            bglob = base + off + _iota16()
            safe = jnp.where(ic != 0, jnp.maximum(e16, 0), bglob & 0x3FFF)
            cm_v.at[pl.ds(off, LANES)][...] = e16
            ic_v.at[pl.ds(off, LANES)][...] = ic
            ci = c // 8
            cl = (c % 8) * LANES
            safe_v.at[ci, pl.ds(cl, LANES)][...] = safe

        for c in range(nchunk):
            pltpu.async_copy(emb_ref.at[safe_v.at[c]], rows_v, sem).wait()

            @pl.loop(0, 128)
            def _(r):
                rg = c * 128 + r
                m = plsc.load_gather(
                    ic_v, [jnp.full((LANES,), rg, jnp.int32)]) != 0
                for l in range(4):
                    col = l * LANES + _iota16()
                    pulled = plsc.load_gather(
                        rows_v, [jnp.full((LANES,), r, jnp.int32), col])
                    plsc.store_scatter(
                        x_v, [jnp.full((LANES,), rg, jnp.int32), col],
                        pulled, mask=m)

        pltpu.sync_copy(x_v, out_hbm.at[pl.ds(base, bpt)])
        pltpu.sync_copy(cm_v, eout_hbm.at[pl.ds(base, bpt)])

    return k2


def _make_k3(B, own):
    nchunks = B // LANES
    cap = own + 2 * 128

    @pl.kernel(
        mesh=plsc.VectorSubcoreMesh(**_MESH),
        scratch_types=[
            pltpu.VMEM((B,), jnp.int32),
            pltpu.VMEM((own,), jnp.int32),
            pltpu.VMEM((cap,), jnp.int32),
            pltpu.VMEM((cap,), jnp.int32),
            pltpu.VMEM((128,), jnp.int32),
            pltpu.VMEM((128,), jnp.int32),
            pltpu.VMEM((128, 128), jnp.float32),
            pltpu.SemaphoreType.DMA,
        ],
        compiler_params=_CP,
    )
    def k3(eall_hbm, xp_hbm, emb_ref,
           e_v, tag_v, ws_v, wb_v, ss_v, sb_v, xr_v, sem):
        w = _wid()
        base = w * own
        pltpu.sync_copy(eall_hbm, e_v)

        @pl.loop(0, own // LANES)
        def _(c):
            tag_v.at[pl.ds(c * LANES, LANES)][...] = jnp.full(
                (LANES,), -1, jnp.int32)

        @pl.loop(0, nchunks)
        def _(c):
            e16 = e_v[pl.ds(c * LANES, LANES)]
            b16 = c * LANES + _iota16()
            mask = (e16 >= base) & (e16 < base + own)
            off = jnp.where(mask, e16 - base, 0)
            plsc.store_scatter(tag_v, [off], b16, mask=mask)

        def cbody(c, cnt):
            t16 = tag_v[pl.ds(c * LANES, LANES)]
            s16 = base + c * LANES + _iota16()
            m = t16 >= 0
            plsc.store_compressed(ws_v.at[pl.ds(cnt, LANES)], s16, mask=m)
            plsc.store_compressed(wb_v.at[pl.ds(cnt, LANES)], t16, mask=m)
            return cnt + jnp.max(plsc.all_reduce_population_count(m))

        cnt = lax.fori_loop(0, own // LANES, cbody, jnp.int32(0))

        @pl.when(cnt > 0)
        def _():
            lasts = plsc.load_gather(
                ws_v, [jnp.full((LANES,), cnt - 1, jnp.int32)])
            lastb = plsc.load_gather(
                wb_v, [jnp.full((LANES,), cnt - 1, jnp.int32)])
            for k in range(8):
                ws_v.at[pl.ds(cnt + k * LANES, LANES)][...] = lasts
                wb_v.at[pl.ds(cnt + k * LANES, LANES)][...] = lastb

            def sbody(g, _):
                @pl.loop(0, 8)
                def _(c):
                    sl = pl.ds(c * LANES, LANES)
                    ss_v.at[sl][...] = ws_v[pl.ds(g * 128 + c * LANES, LANES)]
                    sb_v.at[sl][...] = wb_v[pl.ds(g * 128 + c * LANES, LANES)]
                pltpu.async_copy(xp_hbm.at[sb_v], xr_v, sem).wait()
                pltpu.async_copy(xr_v, emb_ref.at[ss_v], sem).wait()
                return 0

            lax.fori_loop(0, (cnt + 127) // 128, sbody, 0)

    return k3


def _make_kf(B, fpt):
    nchunks = B // LANES

    @pl.kernel(
        out_type=jax.ShapeDtypeStruct((fpt * TILES,), jnp.int32),
        mesh=plsc.VectorSubcoreMesh(**_MESH),
        scratch_types=[
            pltpu.VMEM((fpt,), jnp.int32),
            pltpu.VMEM((B,), jnp.int32),
            pltpu.VMEM((B,), jnp.int32),
        ],
        compiler_params=_CP,
    )
    def kf(comb_hbm, t_hbm, eall_hbm, ncf_hbm, c_v, t_v, e_v):
        w = _wid()
        base = w * fpt
        pltpu.sync_copy(comb_hbm.at[pl.ds(base, fpt)], c_v)
        pltpu.sync_copy(t_hbm, t_v)
        pltpu.sync_copy(eall_hbm, e_v)

        @pl.loop(0, fpt // LANES)
        def _(c):
            sl = pl.ds(c * LANES, LANES)
            c_v.at[sl][...] = c_v.at[sl][...] & 1

        ones = jnp.full((LANES,), 1, jnp.int32)

        @pl.loop(0, nchunks)
        def _(c):
            t16 = t_v[pl.ds(c * LANES, LANES)]
            e16 = e_v[pl.ds(c * LANES, LANES)]
            mask = (e16 != -1) & (t16 >= base) & (t16 < base + fpt)
            off = jnp.where(mask, t16 - base, 0)
            plsc.store_scatter(c_v, [off], ones, mask=mask)

        pltpu.sync_copy(c_v, ncf_hbm.at[pl.ds(base, fpt)])

    return kf


def kernel(x, target_id, emb, emb_idx, cached_nodes):
    B, D = x.shape
    num_cache = emb.shape[0]
    num_emb = cached_nodes.shape[0]

    bpt = B // TILES
    nchunk = bpt // 128
    own = ((num_cache + TILES - 1) // TILES + 15) // 16 * 16
    fpt = ((num_emb + TILES - 1) // TILES + 63) // 64 * 64
    nflags_p = fpt * TILES

    comb = (emb_idx << 1) | cached_nodes.astype(jnp.int32)
    comb_p = jnp.pad(comb, (0, nflags_p - num_emb))

    embP = _tc_pad128(emb.T, 4096)
    xP = _tc_pad128(x.T, 4096)

    emb_ref = jax.new_ref(embP)
    out, eidx_all = _make_k2(B, bpt, nchunk)(target_id, comb_p, x, emb_ref)
    ncw = _make_kf(B, fpt)(comb_p, target_id, eidx_all)
    _make_k3(B, own)(eidx_all, xP, emb_ref)
    new_emb = _tc_unpad(jax.freeze(emb_ref), 4096).T

    new_cn = ncw[:num_emb] != 0
    return out, new_emb, new_cn

# --- scband reference (transcript-rebuilt; emitter-appended) ---
"""Pipeline reference for scband-history-57492432224870 (READ-ONLY COPY).

The authoritative reference and input builder live on the scoring server;
editing this copy changes nothing except your own understanding.
"""

import jax, jax.numpy as jnp
import numpy as np

NUM_EMB = 1_000_000
EMB_DIM = 64
BATCH = 16384


def setup_inputs(seed: int = 0) -> dict:
    key = jax.random.key(seed)
    k1, k2, k3 = jax.random.split(key, 3)
    # cached_id = every other node id -> num_cache = 500000 (production-scale cache)
    cached_id = jnp.arange(0, NUM_EMB, 2, dtype=jnp.int32)
    num_cache = cached_id.shape[0]
    # emb_idx: -1 for uncacheable nodes, slot index for cacheable nodes
    emb_idx = jnp.full((NUM_EMB,), -1, dtype=jnp.int32)
    emb_idx = emb_idx.at[cached_id].set(jnp.arange(num_cache, dtype=jnp.int32))
    # historical embedding cache (pre-populated from earlier pushes)
    emb = jax.random.normal(k1, (num_cache, EMB_DIM), dtype=jnp.float32) * 0.02
    # half of the cacheable slots have already been filled (ids divisible by 4)
    cached_nodes = jnp.zeros((NUM_EMB,), dtype=bool)
    cached_nodes = cached_nodes.at[jnp.arange(0, NUM_EMB, 4)].set(True)
    x = jax.random.normal(k2, (BATCH, EMB_DIM), dtype=jnp.float32)
    target_id = jax.random.randint(k3, (BATCH,), 0, NUM_EMB, dtype=jnp.int32)
    return {"x": x, "target_id": target_id, "emb": emb, "emb_idx": emb_idx, "cached_nodes": cached_nodes}


def reference(x, target_id, emb, emb_idx, cached_nodes):
    num_cache = emb.shape[0]
    num_emb = cached_nodes.shape[0]
    # ---- pull(x, target_id) ----
    is_cached = cached_nodes[target_id]                      # bool [B]
    emb_indices = emb_idx[target_id]                         # int  [B], -1 if uncacheable
    safe_idx = jnp.where(is_cached, emb_indices, 0)
    pulled = jnp.take(emb, safe_idx, axis=0)                 # gather [B, D]
    out = jnp.where(is_cached[:, None], pulled, x)           # out[is_cached] = embeddings
    # ---- push(x, target_id)  (no_grad in original) ----
    should_cache = emb_indices != -1
    # route non-cache writes to a dummy extra row, then slice it off
    slot = jnp.where(should_cache, emb_indices, num_cache)
    emb_ext = jnp.concatenate([emb, jnp.zeros((1, emb.shape[1]), emb.dtype)], axis=0)
    new_emb = emb_ext.at[slot].set(x)[:num_cache]            # scatter-overwrite
    node_slot = jnp.where(should_cache, target_id, num_emb)
    cn_ext = jnp.concatenate([cached_nodes, jnp.zeros((1,), dtype=bool)], axis=0)
    new_cached_nodes = cn_ext.at[node_slot].set(True)[:num_emb]
    return out, new_emb, new_cached_nodes

if __name__ == "__main__":
    import jax
    _d = setup_inputs()
    print(jax.jit(kernel)(*tuple(_d.values())))

</pallas_src>

<mosaic_0001>
#map = affine_map<(d0, d1) -> (0)>
module attributes {stable_mosaic.version = 14 : i64} {
  func.func @kf(%arg0: i32, %arg1: i32, %arg2: memref<1001472xi32, #tpu.memory_space<hbm>>, %arg3: memref<16384xi32, #tpu.memory_space<hbm>>, %arg4: memref<16384xi32, #tpu.memory_space<hbm>>, %arg5: memref<1001472xi32, #tpu.memory_space<hbm>>, %arg6: memref<31296xi32, #tpu.memory_space<vmem>>, %arg7: memref<16384xi32, #tpu.memory_space<vmem>>, %arg8: memref<16384xi32, #tpu.memory_space<vmem>>) attributes {dimension_semantics = [#tpu.dimension_semantics<core_parallel>, #tpu.dimension_semantics<subcore_parallel>], iteration_bounds = array<i64: 2, 16>, scalar_prefetch = 0 : i64, scratch_operands = 3 : i64, tpu.core_type = #tpu.core_type<sc_vector_subcore>, window_params = [{transform_indices = #map}, {transform_indices = #map}, {transform_indices = #map}, {transform_indices = #map}]} {
    %mul3A = arith.constant 2 : i32
    %mul3A_0 = arith.muli %arg1, %mul3A : i32
    %add3A = arith.addi %mul3A_0, %arg0 : i32
    %mul3A_1 = arith.constant 31296 : i32
    %mul3A_2 = arith.muli %add3A, %mul3A_1 : i32
    "tpu.region"() ({
      %run_scoped3A = tpu.sem_alloc : memref<!tpu.dma_semaphore, #tpu.memory_space<semaphore_mem>>
      %dma_start3A = tpu.memref_slice %arg2[%mul3A_2] : memref<1001472xi32, #tpu.memory_space<hbm>> -> memref<31296xi32, #tpu.memory_space<hbm>>
      %dma_start3A_13 = tpu.memref_slice %arg2[%mul3A_2] : memref<1001472xi32, #tpu.memory_space<hbm>> -> memref<31296xi32, #tpu.memory_space<hbm>>
      tpu.enqueue_dma source(%dma_start3A_13 : memref<31296xi32, #tpu.memory_space<hbm>>) target(%arg6 : memref<31296xi32, #tpu.memory_space<vmem>>) target_semaphore(%run_scoped3A : memref<!tpu.dma_semaphore, #tpu.memory_space<semaphore_mem>>)
      %dma_wait3A = tpu.memref_slice %arg2[%mul3A_2] : memref<1001472xi32, #tpu.memory_space<hbm>> -> memref<31296xi32, #tpu.memory_space<hbm>>
      %dma_wait3A_14 = tpu.memref_slice %arg2[%mul3A_2] : memref<1001472xi32, #tpu.memory_space<hbm>> -> memref<31296xi32, #tpu.memory_space<hbm>>
      tpu.wait_dma2 semaphore(%run_scoped3A : memref<!tpu.dma_semaphore, #tpu.memory_space<semaphore_mem>>) src(%dma_wait3A_14 : memref<31296xi32, #tpu.memory_space<hbm>>) dst(%arg6 : memref<31296xi32, #tpu.memory_space<vmem>>)
      tpu.yield
    }) : () -> ()
    "tpu.region"() ({
      %run_scoped3A = tpu.sem_alloc : memref<!tpu.dma_semaphore, #tpu.memory_space<semaphore_mem>>
      tpu.enqueue_dma source(%arg3 : memref<16384xi32, #tpu.memory_space<hbm>>) target(%arg7 : memref<16384xi32, #tpu.memory_space<vmem>>) target_semaphore(%run_scoped3A : memref<!tpu.dma_semaphore, #tpu.memory_space<semaphore_mem>>)
      tpu.wait_dma2 semaphore(%run_scoped3A : memref<!tpu.dma_semaphore, #tpu.memory_space<semaphore_mem>>) src(%arg3 : memref<16384xi32, #tpu.memory_space<hbm>>) dst(%arg7 : memref<16384xi32, #tpu.memory_space<vmem>>)
      tpu.yield
    }) : () -> ()
    "tpu.region"() ({
      %run_scoped3A = tpu.sem_alloc : memref<!tpu.dma_semaphore, #tpu.memory_space<semaphore_mem>>
      tpu.enqueue_dma source(%arg4 : memref<16384xi32, #tpu.memory_space<hbm>>) target(%arg8 : memref<16384xi32, #tpu.memory_space<vmem>>) target_semaphore(%run_scoped3A : memref<!tpu.dma_semaphore, #tpu.memory_space<semaphore_mem>>)
      tpu.wait_dma2 semaphore(%run_scoped3A : memref<!tpu.dma_semaphore, #tpu.memory_space<semaphore_mem>>) src(%arg4 : memref<16384xi32, #tpu.memory_space<hbm>>) dst(%arg8 : memref<16384xi32, #tpu.memory_space<vmem>>)
      tpu.yield
    }) : () -> ()
    %scan3A = arith.constant 0 : i32
    %scan3A_3 = arith.constant 1956 : i32
    %scan3A_4 = arith.addi %scan3A, %scan3A_3 : i32
    %scan3A_5 = arith.constant 1 : i32
    scf.for %scan3A_13 = %scan3A to %scan3A_4 step %scan3A_5  : i32 {
      %mul3A_14 = arith.constant 1 : i32
      %mul3A_15 = arith.muli %scan3A_13, %mul3A_14 : i32
      %add3A_16 = arith.constant 0 : i32
      %add3A_17 = arith.addi %add3A_16, %mul3A_15 : i32
      %mul3A_18 = arith.constant 16 : i32
      %mul3A_19 = arith.muli %add3A_17, %mul3A_18 : i32
      %get3A = arith.index_cast %mul3A_19 : i32 to index
      %get3A_20 = tpu.vector_load %arg6[%get3A] {strides = array<i32>} : memref<31296xi32, #tpu.memory_space<vmem>>, vector<16xi32>,
      %and3A = arith.constant 1 : i32
      %and3A_21 = vector.broadcast %and3A : i32 to vector<16xi32>
      %and3A_22 = arith.andi %get3A_20, %and3A_21 : vector<16xi32>
      %swap3A = arith.index_cast %mul3A_19 : i32 to index
      %swap3A_23 = tpu.vector_load %arg6[%swap3A] {strides = array<i32>} : memref<31296xi32, #tpu.memory_space<vmem>>, vector<16xi32>,
      tpu.vector_store %arg6[%swap3A], %and3A_22 {strides = array<i32>} : memref<31296xi32, #tpu.memory_space<vmem>>, vector<16xi32>,
    }
    %scan3A_6 = arith.constant 1956 : i32
    %broadcast_in_dim3A = arith.constant 1 : i32
    %broadcast_in_dim3A_7 = vector.broadcast %broadcast_in_dim3A : i32 to vector<16xi32>
    %scan3A_8 = arith.constant 0 : i32
    %scan3A_9 = arith.constant 1024 : i32
    %scan3A_10 = arith.addi %scan3A_8, %scan3A_9 : i32
    %scan3A_11 = arith.constant 1 : i32
    scf.for %scan3A_13 = %scan3A_8 to %scan3A_10 step %scan3A_11  : i32 {
      %mul3A_14 = arith.constant 1 : i32
      %mul3A_15 = arith.muli %scan3A_13, %mul3A_14 : i32
      %add3A_16 = arith.constant 0 : i32
      %add3A_17 = arith.addi %add3A_16, %mul3A_15 : i32
      %mul3A_18 = arith.constant 16 : i32
      %mul3A_19 = arith.muli %add3A_17, %mul3A_18 : i32
      %get3A = arith.index_cast %mul3A_19 : i32 to index
      %get3A_20 = tpu.vector_load %arg7[%get3A] {strides = array<i32>} : memref<16384xi32, #tpu.memory_space<vmem>>, vector<16xi32>,
      %mul3A_21 = arith.constant 16 : i32
      %mul3A_22 = arith.muli %add3A_17, %mul3A_21 : i32
      %get3A_23 = arith.index_cast %mul3A_22 : i32 to index
      %get3A_24 = tpu.vector_load %arg8[%get3A_23] {strides = array<i32>} : memref<16384xi32, #tpu.memory_space<vmem>>, vector<16xi32>,
      %ne3A = arith.constant -1 : i32
      %ne3A_25 = vector.broadcast %ne3A : i32 to vector<16xi32>
      %ne3A_26 = arith.cmpi ne, %get3A_24, %ne3A_25 : vector<16xi32>
      %ge3A = vector.broadcast %mul3A_2 : i32 to vector<16xi32>
      %ge3A_27 = arith.cmpi sge, %get3A_20, %ge3A : vector<16xi32>
      %and3A = arith.andi %ne3A_26, %ge3A_27 : vector<16xi1>
      %add3A_28 = arith.constant 31296 : i32
      %add3A_29 = arith.addi %mul3A_2, %add3A_28 : i32
      %lt3A = vector.broadcast %add3A_29 : i32 to vector<16xi32>
      %lt3A_30 = arith.cmpi slt, %get3A_20, %lt3A : vector<16xi32>
      %and3A_31 = arith.andi %and3A, %lt3A_30 : vector<16xi1>
      %sub3A = vector.broadcast %mul3A_2 : i32 to vector<16xi32>
      %sub3A_32 = arith.subi %get3A_20, %sub3A : vector<16xi32>
      %jit3A = arith.constant 0 : i32
      %broadcast_in_dim3A_33 = vector.broadcast %jit3A : i32 to vector<16xi32>
      %select_n3A = arith.select %and3A_31, %sub3A_32, %broadcast_in_dim3A_33 : vector<16xi1>, vector<16xi32>
      tpu.vector_store_idx %arg6[%select_n3A], %broadcast_in_dim3A_7 masked %and3A_31 : memref<31296xi32, #tpu.memory_space<vmem>>[vector<16xi32>], vector<16xi32>, vector<16xi1>
    }
    %scan3A_12 = arith.constant 1024 : i32
    "tpu.region"() ({
      %run_scoped3A = tpu.sem_alloc : memref<!tpu.dma_semaphore, #tpu.memory_space<semaphore_mem>>
      %dma_start3A = tpu.memref_slice %arg5[%mul3A_2] : memref<1001472xi32, #tpu.memory_space<hbm>> -> memref<31296xi32, #tpu.memory_space<hbm>>
      %dma_start3A_13 = tpu.memref_slice %arg5[%mul3A_2] : memref<1001472xi32, #tpu.memory_space<hbm>> -> memref<31296xi32, #tpu.memory_space<hbm>>
      tpu.enqueue_dma source(%arg6 : memref<31296xi32, #tpu.memory_space<vmem>>) target(%dma_start3A_13 : memref<31296xi32, #tpu.memory_space<hbm>>) target_semaphore(%run_scoped3A : memref<!tpu.dma_semaphore, #tpu.memory_space<semaphore_mem>>)
      %dma_wait3A = tpu.memref_slice %arg5[%mul3A_2] : memref<1001472xi32, #tpu.memory_space<hbm>> -> memref<31296xi32, #tpu.memory_space<hbm>>
      %dma_wait3A_14 = tpu.memref_slice %arg5[%mul3A_2] : memref<1001472xi32, #tpu.memory_space<hbm>> -> memref<31296xi32, #tpu.memory_space<hbm>>
      tpu.wait_dma2 semaphore(%run_scoped3A : memref<!tpu.dma_semaphore, #tpu.memory_space<semaphore_mem>>) src(%arg6 : memref<31296xi32, #tpu.memory_space<vmem>>) dst(%dma_wait3A_14 : memref<31296xi32, #tpu.memory_space<hbm>>)
      tpu.yield
    }) : () -> ()
    return
  }
}

#map = affine_map<(d0, d1) -> (0)>
#map1 = affine_map<(d0, d1) -> (0, 0)>
module attributes {stable_mosaic.version = 14 : i64} {
  func.func @new_body(%arg0: i32, %arg1: i32, %arg2: memref<16384xi32, #tpu.memory_space<hbm>>, %arg3: memref<16384x128xf32, #tpu.memory_space<hbm>>, %arg4: memref<500000x128xf32, #tpu.memory_space<hbm>>, %arg5: memref<500000x128xf32, #tpu.memory_space<hbm>>, %arg6: memref<16384xi32, #tpu.memory_space<vmem>>, %arg7: memref<15632xi32, #tpu.memory_space<vmem>>, %arg8: memref<15888xi32, #tpu.memory_space<vmem>>, %arg9: memref<15888xi32, #tpu.memory_space<vmem>>, %arg10: memref<128xi32, #tpu.memory_space<vmem>>, %arg11: memref<128xi32, #tpu.memory_space<vmem>>, %arg12: memref<128x128xf32, #tpu.memory_space<vmem>>, %arg13: memref<!tpu.dma_semaphore, #tpu.memory_space<semaphore_mem>>) attributes {dimension_semantics = [#tpu.dimension_semantics<core_parallel>, #tpu.dimension_semantics<subcore_parallel>], iteration_bounds = array<i64: 2, 16>, scalar_prefetch = 0 : i64, scratch_operands = 8 : i64, tpu.core_type = #tpu.core_type<sc_vector_subcore>, window_params = [{transform_indices = #map}, {transform_indices = #map1}, {transform_indices = #map1}, {transform_indices = #map1}]} {
    %mul3A = arith.constant 2 : i32
    %mul3A_0 = arith.muli %arg1, %mul3A : i32
    %add3A = arith.addi %mul3A_0, %arg0 : i32
    %mul3A_1 = arith.constant 15632 : i32
    %mul3A_2 = arith.muli %add3A, %mul3A_1 : i32
    "tpu.region"() ({
      %run_scoped3A = tpu.sem_alloc : memref<!tpu.dma_semaphore, #tpu.memory_space<semaphore_mem>>
      tpu.enqueue_dma source(%arg2 : memref<16384xi32, #tpu.memory_space<hbm>>) target(%arg6 : memref<16384xi32, #tpu.memory_space<vmem>>) target_semaphore(%run_scoped3A : memref<!tpu.dma_semaphore, #tpu.memory_space<semaphore_mem>>)
      tpu.wait_dma2 semaphore(%run_scoped3A : memref<!tpu.dma_semaphore, #tpu.memory_space<semaphore_mem>>) src(%arg2 : memref<16384xi32, #tpu.memory_space<hbm>>) dst(%arg6 : memref<16384xi32, #tpu.memory_space<vmem>>)
      tpu.yield
    }) : () -> ()
    %scan3A = arith.constant 0 : i32
    %scan3A_3 = arith.constant 977 : i32
    %scan3A_4 = arith.addi %scan3A, %scan3A_3 : i32
    %scan3A_5 = arith.constant 1 : i32
    scf.for %scan3A_21 = %scan3A to %scan3A_4 step %scan3A_5  : i32 {
      %mul3A_22 = arith.constant 1 : i32
      %mul3A_23 = arith.muli %scan3A_21, %mul3A_22 : i32
      %add3A_24 = arith.constant 0 : i32
      %add3A_25 = arith.addi %add3A_24, %mul3A_23 : i32
      %broadcast_in_dim3A = arith.constant -1 : i32
      %broadcast_in_dim3A_26 = vector.broadcast %broadcast_in_dim3A : i32 to vector<16xi32>
      %mul3A_27 = arith.constant 16 : i32
      %mul3A_28 = arith.muli %add3A_25, %mul3A_27 : i32
      %swap3A = arith.index_cast %mul3A_28 : i32 to index
      %swap3A_29 = tpu.vector_load %arg7[%swap3A] {strides = array<i32>} : memref<15632xi32, #tpu.memory_space<vmem>>, vector<16xi32>,
      tpu.vector_store %arg7[%swap3A], %broadcast_in_dim3A_26 {strides = array<i32>} : memref<15632xi32, #tpu.memory_space<vmem>>, vector<16xi32>,
    }
    %scan3A_6 = arith.constant 977 : i32
    %scan3A_7 = arith.constant 0 : i32
    %scan3A_8 = arith.constant 1024 : i32
    %scan3A_9 = arith.addi %scan3A_7, %scan3A_8 : i32
    %scan3A_10 = arith.constant 1 : i32
    scf.for %scan3A_21 = %scan3A_7 to %scan3A_9 step %scan3A_10  : i32 {
      %mul3A_22 = arith.constant 1 : i32
      %mul3A_23 = arith.muli %scan3A_21, %mul3A_22 : i32
      %add3A_24 = arith.constant 0 : i32
      %add3A_25 = arith.addi %add3A_24, %mul3A_23 : i32
      %mul3A_26 = arith.constant 16 : i32
      %mul3A_27 = arith.muli %add3A_25, %mul3A_26 : i32
      %get3A = arith.index_cast %mul3A_27 : i32 to index
      %get3A_28 = tpu.vector_load %arg6[%get3A] {strides = array<i32>} : memref<16384xi32, #tpu.memory_space<vmem>>, vector<16xi32>,
      %mul3A_29 = arith.constant 16 : i32
      %mul3A_30 = arith.muli %add3A_25, %mul3A_29 : i32
      %iota3A = tpu.iota {dimensions = array<i32: 0>} : vector<16xi32>
      %add3A_31 = vector.broadcast %mul3A_30 : i32 to vector<16xi32>
      %add3A_32 = arith.addi %add3A_31, %iota3A : vector<16xi32>
      %ge3A = vector.broadcast %mul3A_2 : i32 to vector<16xi32>
      %ge3A_33 = arith.cmpi sge, %get3A_28, %ge3A : vector<16xi32>
      %add3A_34 = arith.constant 15632 : i32
      %add3A_35 = arith.addi %mul3A_2, %add3A_34 : i32
      %lt3A = vector.broadcast %add3A_35 : i32 to vector<16xi32>
      %lt3A_36 = arith.cmpi slt, %get3A_28, %lt3A : vector<16xi32>
      %and3A = arith.andi %ge3A_33, %lt3A_36 : vector<16xi1>
      %sub3A = vector.broadcast %mul3A_2 : i32 to vector<16xi32>
      %sub3A_37 = arith.subi %get3A_28, %sub3A : vector<16xi32>
      %jit3A = arith.constant 0 : i32
      %broadcast_in_dim3A = vector.broadcast %jit3A : i32 to vector<16xi32>
      %select_n3A = arith.select %and3A, %sub3A_37, %broadcast_in_dim3A : vector<16xi1>, vector<16xi32>
      tpu.vector_store_idx %arg7[%select_n3A], %add3A_32 masked %and3A : memref<15632xi32, #tpu.memory_space<vmem>>[vector<16xi32>], vector<16xi32>, vector<16xi1>
    }
    %scan3A_11 = arith.constant 1024 : i32
    %scan3A_12 = arith.constant 0 : i32
    %scan3A_13 = arith.constant 0 : i32
    %scan3A_14 = arith.constant 977 : i32
    %scan3A_15 = arith.addi %scan3A_13, %scan3A_14 : i32
    %scan3A_16 = arith.constant 1 : i32
    %scan3A_17 = scf.for %scan3A_21 = %scan3A_13 to %scan3A_15 step %scan3A_16 iter_args(%scan3A_22 = %scan3A_12) -> (i32)  : i32 {
      %mul3A_23 = arith.constant 16 : i32
      %mul3A_24 = arith.muli %scan3A_21, %mul3A_23 : i32
      %get3A = arith.index_cast %mul3A_24 : i32 to index
      %get3A_25 = tpu.vector_load %arg7[%get3A] {strides = array<i32>} : memref<15632xi32, #tpu.memory_space<vmem>>, vector<16xi32>,
      %mul3A_26 = arith.constant 16 : i32
      %mul3A_27 = arith.muli %scan3A_21, %mul3A_26 : i32
      %add3A_28 = arith.addi %mul3A_2, %mul3A_27 : i32
      %iota3A = tpu.iota {dimensions = array<i32: 0>} : vector<16xi32>
      %add3A_29 = vector.broadcast %add3A_28 : i32 to vector<16xi32>
      %add3A_30 = arith.addi %add3A_29, %iota3A : vector<16xi32>
      %ge3A = arith.constant 0 : i32
      %ge3A_31 = vector.broadcast %ge3A : i32 to vector<16xi32>
      %ge3A_32 = arith.cmpi sge, %get3A_25, %ge3A_31 : vector<16xi32>
      %swap3A = arith.index_cast %scan3A_22 : i32 to index
      %swap3A_33 = tpu.vector_load %arg8[%swap3A] masked %ge3A_32 {strides = array<i32>} : memref<15888xi32, #tpu.memory_space<vmem>>, vector<16xi32>, vector<16xi1>
      tpu.vector_store %arg8[%swap3A], %add3A_30 masked %ge3A_32 {strides = array<i32>} : memref<15888xi32, #tpu.memory_space<vmem>>, vector<16xi32>, vector<16xi1>
      %swap3A_34 = arith.index_cast %scan3A_22 : i32 to index
      %swap3A_35 = tpu.vector_load %arg9[%swap3A_34] masked %ge3A_32 {strides = array<i32>} : memref<15888xi32, #tpu.memory_space<vmem>>, vector<16xi32>, vector<16xi1>
      tpu.vector_store %arg9[%swap3A_34], %get3A_25 masked %ge3A_32 {strides = array<i32>} : memref<15888xi32, #tpu.memory_space<vmem>>, vector<16xi32>, vector<16xi1>
      %all_reduce_population_count3A = tpu.all_reduce %ge3A_32 {dim = 0 : i64, kind = #tpu.reduction_kind<sum>} : vector<16xi1> -> vector<16xi32>
      %reduce_max3A = arith.constant true
      %reduce_max3A_36 = vector.broadcast %reduce_max3A : i1 to vector<16xi1>
      %reduce_max3A_37 = arith.constant -2147483648 : i32
      %reduce_max3A_38 = vector.broadcast %reduce_max3A_37 : i32 to vector<16xi32>
      %reduce_max3A_39 = arith.xori %all_reduce_population_count3A, %reduce_max3A_38 : vector<16xi32>
      %reduce_max3A_40 = tpu.scan <max>, %reduce_max3A_39 masked %reduce_max3A_36 : vector<16xi32>, vector<16xi1> -> vector<16xi32>
      %reduce_max3A_41 = arith.xori %reduce_max3A_40, %reduce_max3A_38 : vector<16xi32>
      %reduce_max3A_42 = vector.extract %reduce_max3A_41[15] : i32 from vector<16xi32>
      %add3A_43 = arith.addi %scan3A_22, %reduce_max3A_42 : i32
      scf.yield %add3A_43 : i32
    }
    %scan3A_18 = arith.constant 977 : i32
    %gt3A = arith.constant 0 : i32
    %gt3A_19 = arith.cmpi sgt, %scan3A_17, %gt3A : i32
    %convert_element_type3A = arith.extui %gt3A_19 : i1 to i32
    %cond3A = arith.constant 0 : i32
    %cond3A_20 = arith.cmpi ne, %convert_element_type3A, %cond3A : i32
    scf.if %cond3A_20 {
      %sub3A = arith.constant 1 : i32
      %sub3A_21 = arith.subi %scan3A_17, %sub3A : i32
      %broadcast_in_dim3A = vector.broadcast %sub3A_21 : i32 to vector<16xi32>
      %gather3A = tpu.vector_load_idx %arg8[%broadcast_in_dim3A] : memref<15888xi32, #tpu.memory_space<vmem>>[vector<16xi32>], vector<16xi32>,
      %sub3A_22 = arith.constant 1 : i32
      %sub3A_23 = arith.subi %scan3A_17, %sub3A_22 : i32
      %broadcast_in_dim3A_24 = vector.broadcast %sub3A_23 : i32 to vector<16xi32>
      %gather3A_25 = tpu.vector_load_idx %arg9[%broadcast_in_dim3A_24] : memref<15888xi32, #tpu.memory_space<vmem>>[vector<16xi32>], vector<16xi32>,
      %add3A_26 = arith.constant 0 : i32
      %add3A_27 = arith.addi %scan3A_17, %add3A_26 : i32
      %swap3A = arith.index_cast %add3A_27 : i32 to index
      %swap3A_28 = tpu.vector_load %arg8[%swap3A] {strides = array<i32>} : memref<15888xi32, #tpu.memory_space<vmem>>, vector<16xi32>,
      tpu.vector_store %arg8[%swap3A], %gather3A {strides = array<i32>} : memref<15888xi32, #tpu.memory_space<vmem>>, vector<16xi32>,
      %add3A_29 = arith.constant 0 : i32
      %add3A_30 = arith.addi %scan3A_17, %add3A_29 : i32
      %swap3A_31 = arith.index_cast %add3A_30 : i32 to index
      %swap3A_32 = tpu.vector_load %arg9[%swap3A_31] {strides = array<i32>} : memref<15888xi32, #tpu.memory_space<vmem>>, vector<16xi32>,
      tpu.vector_store %arg9[%swap3A_31], %gather3A_25 {strides = array<i32>} : memref<15888xi32, #tpu.memory_space<vmem>>, vector<16xi32>,
      %add3A_33 = arith.constant 16 : i32
      %add3A_34 = arith.addi %scan3A_17, %add3A_33 : i32
      %swap3A_35 = arith.index_cast %add3A_34 : i32 to index
      %swap3A_36 = tpu.vector_load %arg8[%swap3A_35] {strides = array<i32>} : memref<15888xi32, #tpu.memory_space<vmem>>, vector<16xi32>,
      tpu.vector_store %arg8[%swap3A_35], %gather3A {strides = array<i32>} : memref<15888xi32, #tpu.memory_space<vmem>>, vector<16xi32>,
      %add3A_37 = arith.constant 16 : i32
      %add3A_38 = arith.addi %scan3A_17, %add3A_37 : i32
      %swap3A_39 = arith.index_cast %add3A_38 : i32 to index
      %swap3A_40 = tpu.vector_load %arg9[%swap3A_39] {strides = array<i32>} : memref<15888xi32, #tpu.memory_space<vmem>>, vector<16xi32>,
      tpu.vector_store %arg9[%swap3A_39], %gather3A_25 {strides = array<i32>} : memref<15888xi32, #tpu.memory_space<vmem>>, vector<16xi32>,
      %add3A_41 = arith.constant 32 : i32
      %add3A_42 = arith.addi %scan3A_17, %add3A_41 : i32
      %swap3A_43 = arith.index_cast %add3A_42 : i32 to index
      %swap3A_44 = tpu.vector_load %arg8[%swap3A_43] {strides = array<i32>} : memref<15888xi32, #tpu.memory_space<vmem>>, vector<16xi32>,
      tpu.vector_store %arg8[%swap3A_43], %gather3A {strides = array<i32>} : memref<15888xi32, #tpu.memory_space<vmem>>, vector<16xi32>,
      %add3A_45 = arith.constant 32 : i32
      %add3A_46 = arith.addi %scan3A_17, %add3A_45 : i32
      %swap3A_47 = arith.index_cast %add3A_46 : i32 to index
      %swap3A_48 = tpu.vector_load %arg9[%swap3A_47] {strides = array<i32>} : memref<15888xi32, #tpu.memory_space<vmem>>, vector<16xi32>,
      tpu.vector_store %arg9[%swap3A_47], %gather3A_25 {strides = array<i32>} : memref<15888xi32, #tpu.memory_space<vmem>>, vector<16xi32>,
      %add3A_49 = arith.constant 48 : i32
      %add3A_50 = arith.addi %scan3A_17, %add3A_49 : i32
      %swap3A_51 = arith.index_cast %add3A_50 : i32 to index
      %swap3A_52 = tpu.vector_load %arg8[%swap3A_51] {strides = array<i32>} : memref<15888xi32, #tpu.memory_space<vmem>>, vector<16xi32>,
      tpu.vector_store %arg8[%swap3A_51], %gather3A {strides = array<i32>} : memref<15888xi32, #tpu.memory_space<vmem>>, vector<16xi32>,
      %add3A_53 = arith.constant 48 : i32
      %add3A_54 = arith.addi %scan3A_17, %add3A_53 : i32
      %swap3A_55 = arith.index_cast %add3A_54 : i32 to index
      %swap3A_56 = tpu.vector_load %arg9[%swap3A_55] {strides = array<i32>} : memref<15888xi32, #tpu.memory_space<vmem>>, vector<16xi32>,
      tpu.vector_store %arg9[%swap3A_55], %gather3A_25 {strides = array<i32>} : memref<15888xi32, #tpu.memory_space<vmem>>, vector<16xi32>,
      %add3A_57 = arith.constant 64 : i32
      %add3A_58 = arith.addi %scan3A_17, %add3A_57 : i32
      %swap3A_59 = arith.index_cast %add3A_58 : i32 to index
      %swap3A_60 = tpu.vector_load %arg8[%swap3A_59] {strides = array<i32>} : memref<15888xi32, #tpu.memory_space<vmem>>, vector<16xi32>,
      tpu.vector_store %arg8[%swap3A_59], %gather3A {strides = array<i32>} : memref<15888xi32, #tpu.memory_space<vmem>>, vector<16xi32>,
      %add3A_61 = arith.constant 64 : i32
      %add3A_62 = arith.addi %scan3A_17, %add3A_61 : i32
      %swap3A_63 = arith.index_cast %add3A_62 : i32 to index
      %swap3A_64 = tpu.vector_load %arg9[%swap3A_63] {strides = array<i32>} : memref<15888xi32, #tpu.memory_space<vmem>>, vector<16xi32>,
      tpu.vector_store %arg9[%swap3A_63], %gather3A_25 {strides = array<i32>} : memref<15888xi32, #tpu.memory_space<vmem>>, vector<16xi32>,
      %add3A_65 = arith.constant 80 : i32
      %add3A_66 = arith.addi %scan3A_17, %add3A_65 : i32
      %swap3A_67 = arith.index_cast %add3A_66 : i32 to index
      %swap3A_68 = tpu.vector_load %arg8[%swap3A_67] {strides = array<i32>} : memref<15888xi32, #tpu.memory_space<vmem>>, vector<16xi32>,
      tpu.vector_store %arg8[%swap3A_67], %gather3A {strides = array<i32>} : memref<15888xi32, #tpu.memory_space<vmem>>, vector<16xi32>,
      %add3A_69 = arith.constant 80 : i32
      %add3A_70 = arith.addi %scan3A_17, %add3A_69 : i32
      %swap3A_71 = arith.index_cast %add3A_70 : i32 to index
      %swap3A_72 = tpu.vector_load %arg9[%swap3A_71] {strides = array<i32>} : memref<15888xi32, #tpu.memory_space<vmem>>, vector<16xi32>,
      tpu.vector_store %arg9[%swap3A_71], %gather3A_25 {strides = array<i32>} : memref<15888xi32, #tpu.memory_space<vmem>>, vector<16xi32>,
      %add3A_73 = arith.constant 96 : i32
      %add3A_74 = arith.addi %scan3A_17, %add3A_73 : i32
      %swap3A_75 = arith.index_cast %add3A_74 : i32 to index
      %swap3A_76 = tpu.vector_load %arg8[%swap3A_75] {strides = array<i32>} : memref<15888xi32, #tpu.memory_space<vmem>>, vector<16xi32>,
      tpu.vector_store %arg8[%swap3A_75], %gather3A {strides = array<i32>} : memref<15888xi32, #tpu.memory_space<vmem>>, vector<16xi32>,
      %add3A_77 = arith.constant 96 : i32
      %add3A_78 = arith.addi %scan3A_17, %add3A_77 : i32
      %swap3A_79 = arith.index_cast %add3A_78 : i32 to index
      %swap3A_80 = tpu.vector_load %arg9[%swap3A_79] {strides = array<i32>} : memref<15888xi32, #tpu.memory_space<vmem>>, vector<16xi32>,
      tpu.vector_store %arg9[%swap3A_79], %gather3A_25 {strides = array<i32>} : memref<15888xi32, #tpu.memory_space<vmem>>, vector<16xi32>,
      %add3A_81 = arith.constant 112 : i32
      %add3A_82 = arith.addi %scan3A_17, %add3A_81 : i32
      %swap3A_83 = arith.index_cast %add3A_82 : i32 to index
      %swap3A_84 = tpu.vector_load %arg8[%swap3A_83] {strides = array<i32>} : memref<15888xi32, #tpu.memory_space<vmem>>, vector<16xi32>,
      tpu.vector_store %arg8[%swap3A_83], %gather3A {strides = array<i32>} : memref<15888xi32, #tpu.memory_space<vmem>>, vector<16xi32>,
      %add3A_85 = arith.constant 112 : i32
      %add3A_86 = arith.addi %scan3A_17, %add3A_85 : i32
      %swap3A_87 = arith.index_cast %add3A_86 : i32 to index
      %swap3A_88 = tpu.vector_load %arg9[%swap3A_87] {strides = array<i32>} : memref<15888xi32, #tpu.memory_space<vmem>>, vector<16xi32>,
      tpu.vector_store %arg9[%swap3A_87], %gather3A_25 {strides = array<i32>} : memref<15888xi32, #tpu.memory_space<vmem>>, vector<16xi32>,
      %add3A_89 = arith.constant 127 : i32
      %add3A_90 = arith.addi %scan3A_17, %add3A_89 : i32
      %jit3A = arith.constant 128 : i32
      %div3A = arith.divsi %add3A_90, %jit3A : i32
      %sign3A = arith.constant 0 : i32
      %sign3A_91 = arith.cmpi sgt, %add3A_90, %sign3A : i32
      %sign3A_92 = arith.extui %sign3A_91 : i1 to i32
      %sign3A_93 = arith.constant 0 : i32
      %sign3A_94 = arith.cmpi slt, %add3A_90, %sign3A_93 : i32
      %sign3A_95 = arith.extui %sign3A_94 : i1 to i32
      %sign3A_96 = arith.subi %sign3A_92, %sign3A_95 : i32
      %sign3A_97 = arith.constant 0 : i32
      %sign3A_98 = arith.cmpi sgt, %jit3A, %sign3A_97 : i32
      %sign3A_99 = arith.extui %sign3A_98 : i1 to i32
      %sign3A_100 = arith.constant 0 : i32
      %sign3A_101 = arith.cmpi slt, %jit3A, %sign3A_100 : i32
      %sign3A_102 = arith.extui %sign3A_101 : i1 to i32
      %sign3A_103 = arith.subi %sign3A_99, %sign3A_102 : i32
      %ne3A = arith.cmpi ne, %sign3A_96, %sign3A_103 : i32
      %rem3A = arith.remsi %add3A_90, %jit3A : i32
      %ne3A_104 = arith.constant 0 : i32
      %ne3A_105 = arith.cmpi ne, %rem3A, %ne3A_104 : i32
      %and3A = arith.andi %ne3A, %ne3A_105 : i1
      %sub3A_106 = arith.constant 1 : i32
      %sub3A_107 = arith.subi %div3A, %sub3A_106 : i32
      %select_n3A = arith.select %and3A, %sub3A_107, %div3A : i32
      %while3A = arith.constant 0 : i32
      %while3A_108 = arith.constant 0 : i32
      %while3A_109 = arith.subi %select_n3A, %while3A : i32
      %while3A_110 = arith.addi %while3A, %while3A_109 : i32
      %while3A_111 = arith.constant 1 : i32
      %while3A_112 = arith.divsi %while3A_109, %while3A_111 : i32
      %while3A_113 = arith.muli %while3A_112, %while3A_111 : i32
      %while3A_114 = arith.addi %while3A, %while3A_113 : i32
      %while3A_115 = arith.constant 1 : i32
      %while3A_116 = scf.for %while3A_119 = %while3A to %while3A_114 step %while3A_115 iter_args(%while3A_120 = %while3A_108) -> (i32)  : i32 {
        %scan3A_121 = arith.constant 0 : i32
        %scan3A_122 = arith.constant 8 : i32
        %scan3A_123 = arith.addi %scan3A_121, %scan3A_122 : i32
        %scan3A_124 = arith.constant 1 : i32
        scf.for %scan3A_137 = %scan3A_121 to %scan3A_123 step %scan3A_124  : i32 {
          %mul3A_138 = arith.constant 1 : i32
          %mul3A_139 = arith.muli %scan3A_137, %mul3A_138 : i32
          %add3A_140 = arith.constant 0 : i32
          %add3A_141 = arith.addi %add3A_140, %mul3A_139 : i32
          %mul3A_142 = arith.constant 16 : i32
          %mul3A_143 = arith.muli %add3A_141, %mul3A_142 : i32
          %mul3A_144 = arith.constant 128 : i32
          %mul3A_145 = arith.muli %while3A_119, %mul3A_144 : i32
          %mul3A_146 = arith.constant 16 : i32
          %mul3A_147 = arith.muli %add3A_141, %mul3A_146 : i32
          %add3A_148 = arith.addi %mul3A_145, %mul3A_147 : i32
          %get3A = arith.index_cast %add3A_148 : i32 to index
          %get3A_149 = tpu.vector_load %arg8[%get3A] {strides = array<i32>} : memref<15888xi32, #tpu.memory_space<vmem>>, vector<16xi32>,
          %swap3A_150 = arith.index_cast %mul3A_143 : i32 to index
          %swap3A_151 = tpu.vector_load %arg10[%swap3A_150] {strides = array<i32>} : memref<128xi32, #tpu.memory_space<vmem>>, vector<16xi32>,
          tpu.vector_store %arg10[%swap3A_150], %get3A_149 {strides = array<i32>} : memref<128xi32, #tpu.memory_space<vmem>>, vector<16xi32>,
          %mul3A_152 = arith.constant 128 : i32
          %mul3A_153 = arith.muli %while3A_119, %mul3A_152 : i32
          %mul3A_154 = arith.constant 16 : i32
          %mul3A_155 = arith.muli %add3A_141, %mul3A_154 : i32
          %add3A_156 = arith.addi %mul3A_153, %mul3A_155 : i32
          %get3A_157 = arith.index_cast %add3A_156 : i32 to index
          %get3A_158 = tpu.vector_load %arg9[%get3A_157] {strides = array<i32>} : memref<15888xi32, #tpu.memory_space<vmem>>, vector<16xi32>,
          %swap3A_159 = arith.index_cast %mul3A_143 : i32 to index
          %swap3A_160 = tpu.vector_load %arg11[%swap3A_159] {strides = array<i32>} : memref<128xi32, #tpu.memory_space<vmem>>, vector<16xi32>,
          tpu.vector_store %arg11[%swap3A_159], %get3A_158 {strides = array<i32>} : memref<128xi32, #tpu.memory_space<vmem>>, vector<16xi32>,
        }
        %scan3A_125 = arith.constant 8 : i32
        %dma_start3A = arith.constant 0 : i32
        %dma_start3A_126 = arith.constant 0 : i32
        %dma_start3A_127 = tpu.memref_slice %arg3[%dma_start3A, %dma_start3A_126] : memref<16384x128xf32, #tpu.memory_space<hbm>> -> memref<16384x128xf32, #tpu.memory_space<hbm>>
        tpu.enqueue_indirect_dma source(%dma_start3A_127 : memref<16384x128xf32, #tpu.memory_space<hbm>>) target(%arg12 : memref<128x128xf32, #tpu.memory_space<vmem>>) offsets(%arg11 : memref<128xi32, #tpu.memory_space<vmem>>) semaphore(%arg13 : memref<!tpu.dma_semaphore, #tpu.memory_space<semaphore_mem>>)
        %dma_wait3A = arith.constant 0 : i32
        %dma_wait3A_128 = arith.constant 0 : i32
        %dma_wait3A_129 = tpu.memref_slice %arg3[%dma_wait3A, %dma_wait3A_128] : memref<16384x128xf32, #tpu.memory_space<hbm>> -> memref<16384x128xf32, #tpu.memory_space<hbm>>
        tpu.wait_indirect_dma semaphore(%arg13 : memref<!tpu.dma_semaphore, #tpu.memory_space<semaphore_mem>>) src(%dma_wait3A_129 : memref<16384x128xf32, #tpu.memory_space<hbm>>) dst(%arg12 : memref<128x128xf32, #tpu.memory_space<vmem>>)
        %dma_start3A_130 = arith.constant 0 : i32
        %dma_start3A_131 = arith.constant 0 : i32
        %dma_start3A_132 = tpu.memref_slice %arg4[%dma_start3A_130, %dma_start3A_131] : memref<500000x128xf32, #tpu.memory_space<hbm>> -> memref<500000x128xf32, #tpu.memory_space<hbm>>
        tpu.enqueue_indirect_dma source(%arg12 : memref<128x128xf32, #tpu.memory_space<vmem>>) target(%dma_start3A_132 : memref<500000x128xf32, #tpu.memory_space<hbm>>) offsets(%arg10 : memref<128xi32, #tpu.memory_space<vmem>>) semaphore(%arg13 : memref<!tpu.dma_semaphore, #tpu.memory_space<semaphore_mem>>)
        %dma_wait3A_133 = arith.constant 0 : i32
        %dma_wait3A_134 = arith.constant 0 : i32
        %dma_wait3A_135 = tpu.memref_slice %arg4[%dma_wait3A_133, %dma_wait3A_134] : memref<500000x128xf32, #tpu.memory_space<hbm>> -> memref<500000x128xf32, #tpu.memory_space<hbm>>
        tpu.wait_indirect_dma semaphore(%arg13 : memref<!tpu.dma_semaphore, #tpu.memory_space<semaphore_mem>>) src(%arg12 : memref<128x128xf32, #tpu.memory_space<vmem>>) dst(%dma_wait3A_135 : memref<500000x128xf32, #tpu.memory_space<hbm>>)
        %while3A_136 = arith.constant 0 : i32
        scf.yield %while3A_136 : i32
      }
      %while3A_117 = arith.constant 1 : i32
      %while3A_118 = scf.for %while3A_119 = %while3A_114 to %while3A_110 step %while3A_117 iter_args(%while3A_120 = %while3A_116) -> (i32)  : i32 {
        %scan3A_121 = arith.constant 0 : i32
        %scan3A_122 = arith.constant 8 : i32
        %scan3A_123 = arith.addi %scan3A_121, %scan3A_122 : i32
        %scan3A_124 = arith.constant 1 : i32
        scf.for %scan3A_137 = %scan3A_121 to %scan3A_123 step %scan3A_124  : i32 {
          %mul3A_138 = arith.constant 1 : i32
          %mul3A_139 = arith.muli %scan3A_137, %mul3A_138 : i32
          %add3A_140 = arith.constant 0 : i32
          %add3A_141 = arith.addi %add3A_140, %mul3A_139 : i32
          %mul3A_142 = arith.constant 16 : i32
          %mul3A_143 = arith.muli %add3A_141, %mul3A_142 : i32
          %mul3A_144 = arith.constant 128 : i32
          %mul3A_145 = arith.muli %while3A_119, %mul3A_144 : i32
          %mul3A_146 = arith.constant 16 : i32
          %mul3A_147 = arith.muli %add3A_141, %mul3A_146 : i32
          %add3A_148 = arith.addi %mul3A_145, %mul3A_147 : i32
          %get3A = arith.index_cast %add3A_148 : i32 to index
          %get3A_149 = tpu.vector_load %arg8[%get3A] {strides = array<i32>} : memref<15888xi32, #tpu.memory_space<vmem>>, vector<16xi32>,
          %swap3A_150 = arith.index_cast %mul3A_143 : i32 to index
          %swap3A_151 = tpu.vector_load %arg10[%swap3A_150] {strides = array<i32>} : memref<128xi32, #tpu.memory_space<vmem>>, vector<16xi32>,
          tpu.vector_store %arg10[%swap3A_150], %get3A_149 {strides = array<i32>} : memref<128xi32, #tpu.memory_space<vmem>>, vector<16xi32>,
          %mul3A_152 = arith.constant 128 : i32
          %mul3A_153 = arith.muli %while3A_119, %mul3A_152 : i32
          %mul3A_154 = arith.constant 16 : i32
          %mul3A_155 = arith.muli %add3A_141, %mul3A_154 : i32
          %add3A_156 = arith.addi %mul3A_153, %mul3A_155 : i32
          %get3A_157 = arith.index_cast %add3A_156 : i32 to index
          %get3A_158 = tpu.vector_load %arg9[%get3A_157] {strides = array<i32>} : memref<15888xi32, #tpu.memory_space<vmem>>, vector<16xi32>,
          %swap3A_159 = arith.index_cast %mul3A_143 : i32 to index
          %swap3A_160 = tpu.vector_load %arg11[%swap3A_159] {strides = array<i32>} : memref<128xi32, #tpu.memory_space<vmem>>, vector<16xi32>,
          tpu.vector_store %arg11[%swap3A_159], %get3A_158 {strides = array<i32>} : memref<128xi32, #tpu.memory_space<vmem>>, vector<16xi32>,
        }
        %scan3A_125 = arith.constant 8 : i32
        %dma_start3A = arith.constant 0 : i32
        %dma_start3A_126 = arith.constant 0 : i32
        %dma_start3A_127 = tpu.memref_slice %arg3[%dma_start3A, %dma_start3A_126] : memref<16384x128xf32, #tpu.memory_space<hbm>> -> memref<16384x128xf32, #tpu.memory_space<hbm>>
        tpu.enqueue_indirect_dma source(%dma_start3A_127 : memref<16384x128xf32, #tpu.memory_space<hbm>>) target(%arg12 : memref<128x128xf32, #tpu.memory_space<vmem>>) offsets(%arg11 : memref<128xi32, #tpu.memory_space<vmem>>) semaphore(%arg13 : memref<!tpu.dma_semaphore, #tpu.memory_space<semaphore_mem>>)
        %dma_wait3A = arith.constant 0 : i32
        %dma_wait3A_128 = arith.constant 0 : i32
        %dma_wait3A_129 = tpu.memref_slice %arg3[%dma_wait3A, %dma_wait3A_128] : memref<16384x128xf32, #tpu.memory_space<hbm>> -> memref<16384x128xf32, #tpu.memory_space<hbm>>
        tpu.wait_indirect_dma semaphore(%arg13 : memref<!tpu.dma_semaphore, #tpu.memory_space<semaphore_mem>>) src(%dma_wait3A_129 : memref<16384x128xf32, #tpu.memory_space<hbm>>) dst(%arg12 : memref<128x128xf32, #tpu.memory_space<vmem>>)
        %dma_start3A_130 = arith.constant 0 : i32
        %dma_start3A_131 = arith.constant 0 : i32
        %dma_start3A_132 = tpu.memref_slice %arg4[%dma_start3A_130, %dma_start3A_131] : memref<500000x128xf32, #tpu.memory_space<hbm>> -> memref<500000x128xf32, #tpu.memory_space<hbm>>
        tpu.enqueue_indirect_dma source(%arg12 : memref<128x128xf32, #tpu.memory_space<vmem>>) target(%dma_start3A_132 : memref<500000x128xf32, #tpu.memory_space<hbm>>) offsets(%arg10 : memref<128xi32, #tpu.memory_space<vmem>>) semaphore(%arg13 : memref<!tpu.dma_semaphore, #tpu.memory_space<semaphore_mem>>)
        %dma_wait3A_133 = arith.constant 0 : i32
        %dma_wait3A_134 = arith.constant 0 : i32
        %dma_wait3A_135 = tpu.memref_slice %arg4[%dma_wait3A_133, %dma_wait3A_134] : memref<500000x128xf32, #tpu.memory_space<hbm>> -> memref<500000x128xf32, #tpu.memory_space<hbm>>
        tpu.wait_indirect_dma semaphore(%arg13 : memref<!tpu.dma_semaphore, #tpu.memory_space<semaphore_mem>>) src(%arg12 : memref<128x128xf32, #tpu.memory_space<vmem>>) dst(%dma_wait3A_135 : memref<500000x128xf32, #tpu.memory_space<hbm>>)
        %while3A_136 = arith.constant 0 : i32
        scf.yield %while3A_136 : i32
      }
    } else {
    }
    return
  }
}

#map = affine_map<(d0, d1) -> (0)>
#map1 = affine_map<(d0, d1) -> (0, 0)>
module attributes {stable_mosaic.version = 14 : i64} {
  func.func @new_body(%arg0: i32, %arg1: i32, %arg2: memref<16384xi32, #tpu.memory_space<hbm>>, %arg3: memref<1001472xi32, #tpu.memory_space<hbm>>, %arg4: memref<16384x64xf32, #tpu.memory_space<hbm>>, %arg5: memref<500000x128xf32, #tpu.memory_space<hbm>>, %arg6: memref<16384x64xf32, #tpu.memory_space<hbm>>, %arg7: memref<16384xi32, #tpu.memory_space<hbm>>, %arg8: memref<500000x128xf32, #tpu.memory_space<hbm>>, %arg9: memref<512xi32, #tpu.memory_space<vmem>>, %arg10: memref<512xi32, #tpu.memory_space<vmem>>, %arg11: memref<512xi32, #tpu.memory_space<vmem>>, %arg12: memref<4x128xi32, #tpu.memory_space<vmem>>, %arg13: memref<128x128xf32, #tpu.memory_space<vmem>>, %arg14: memref<512x64xf32, #tpu.memory_space<vmem>>, %arg15: memref<!tpu.dma_semaphore, #tpu.memory_space<semaphore_mem>>) attributes {dimension_semantics = [#tpu.dimension_semantics<core_parallel>, #tpu.dimension_semantics<subcore_parallel>], iteration_bounds = array<i64: 2, 16>, scalar_prefetch = 0 : i64, scratch_operands = 7 : i64, tpu.core_type = #tpu.core_type<sc_vector_subcore>, window_params = [{transform_indices = #map}, {transform_indices = #map}, {transform_indices = #map1}, {transform_indices = #map1}, {transform_indices = #map1}, {transform_indices = #map}, {transform_indices = #map1}]} {
    %mul3A = arith.constant 2 : i32
    %mul3A_0 = arith.muli %arg1, %mul3A : i32
    %add3A = arith.addi %mul3A_0, %arg0 : i32
    %mul3A_1 = arith.constant 512 : i32
    %mul3A_2 = arith.muli %add3A, %mul3A_1 : i32
    %multiple_of3A = tpu.assume_multiple %mul3A_2, 8 : i32
    "tpu.region"() ({
      %run_scoped3A = tpu.sem_alloc : memref<!tpu.dma_semaphore, #tpu.memory_space<semaphore_mem>>
      %dma_start3A_137 = tpu.memref_slice %arg2[%multiple_of3A] : memref<16384xi32, #tpu.memory_space<hbm>> -> memref<512xi32, #tpu.memory_space<hbm>>
      %dma_start3A_138 = tpu.memref_slice %arg2[%multiple_of3A] : memref<16384xi32, #tpu.memory_space<hbm>> -> memref<512xi32, #tpu.memory_space<hbm>>
      tpu.enqueue_dma source(%dma_start3A_138 : memref<512xi32, #tpu.memory_space<hbm>>) target(%arg9 : memref<512xi32, #tpu.memory_space<vmem>>) target_semaphore(%run_scoped3A : memref<!tpu.dma_semaphore, #tpu.memory_space<semaphore_mem>>)
      %dma_wait3A_139 = tpu.memref_slice %arg2[%multiple_of3A] : memref<16384xi32, #tpu.memory_space<hbm>> -> memref<512xi32, #tpu.memory_space<hbm>>
      %dma_wait3A_140 = tpu.memref_slice %arg2[%multiple_of3A] : memref<16384xi32, #tpu.memory_space<hbm>> -> memref<512xi32, #tpu.memory_space<hbm>>
      tpu.wait_dma2 semaphore(%run_scoped3A : memref<!tpu.dma_semaphore, #tpu.memory_space<semaphore_mem>>) src(%dma_wait3A_140 : memref<512xi32, #tpu.memory_space<hbm>>) dst(%arg9 : memref<512xi32, #tpu.memory_space<vmem>>)
      tpu.yield
    }) : () -> ()
    %dma_start3A = arith.constant 0 : i32
    %dma_start3A_3 = tpu.memref_slice %arg4[%multiple_of3A, %dma_start3A] : memref<16384x64xf32, #tpu.memory_space<hbm>> -> memref<512x64xf32, #tpu.memory_space<hbm>>
    %dma_start3A_4 = arith.constant 0 : i32
    %dma_start3A_5 = tpu.memref_slice %arg4[%multiple_of3A, %dma_start3A_4] : memref<16384x64xf32, #tpu.memory_space<hbm>> -> memref<512x64xf32, #tpu.memory_space<hbm>>
    tpu.enqueue_dma source(%dma_start3A_5 : memref<512x64xf32, #tpu.memory_space<hbm>>) target(%arg14 : memref<512x64xf32, #tpu.memory_space<vmem>>) target_semaphore(%arg15 : memref<!tpu.dma_semaphore, #tpu.memory_space<semaphore_mem>>)
    %dma_wait3A = arith.constant 0 : i32
    %dma_wait3A_6 = tpu.memref_slice %arg4[%multiple_of3A, %dma_wait3A] : memref<16384x64xf32, #tpu.memory_space<hbm>> -> memref<512x64xf32, #tpu.memory_space<hbm>>
    %dma_wait3A_7 = arith.constant 0 : i32
    %dma_wait3A_8 = tpu.memref_slice %arg4[%multiple_of3A, %dma_wait3A_7] : memref<16384x64xf32, #tpu.memory_space<hbm>> -> memref<512x64xf32, #tpu.memory_space<hbm>>
    tpu.wait_dma2 semaphore(%arg15 : memref<!tpu.dma_semaphore, #tpu.memory_space<semaphore_mem>>) src(%dma_wait3A_8 : memref<512x64xf32, #tpu.memory_space<hbm>>) dst(%arg14 : memref<512x64xf32, #tpu.memory_space<vmem>>)
    %dma_start3A_9 = arith.constant 0 : i32
    %dma_start3A_10 = tpu.memref_slice %arg10[%dma_start3A_9] : memref<512xi32, #tpu.memory_space<vmem>> -> memref<128xi32, #tpu.memory_space<vmem>>
    %dma_start3A_11 = arith.constant 0 : i32
    %dma_start3A_12 = tpu.memref_slice %arg9[%dma_start3A_11] : memref<512xi32, #tpu.memory_space<vmem>> -> memref<128xi32, #tpu.memory_space<vmem>>
    %dma_start3A_13 = arith.constant 0 : i32
    %dma_start3A_14 = tpu.memref_slice %arg3[%dma_start3A_13] : memref<1001472xi32, #tpu.memory_space<hbm>> -> memref<1001472xi32, #tpu.memory_space<hbm>>
    tpu.enqueue_indirect_dma source(%dma_start3A_14 : memref<1001472xi32, #tpu.memory_space<hbm>>) target(%dma_start3A_10 : memref<128xi32, #tpu.memory_space<vmem>>) offsets(%dma_start3A_12 : memref<128xi32, #tpu.memory_space<vmem>>) semaphore(%arg15 : memref<!tpu.dma_semaphore, #tpu.memory_space<semaphore_mem>>)
    %dma_wait3A_15 = arith.constant 0 : i32
    %dma_wait3A_16 = tpu.memref_slice %arg10[%dma_wait3A_15] : memref<512xi32, #tpu.memory_space<vmem>> -> memref<128xi32, #tpu.memory_space<vmem>>
    %dma_wait3A_17 = arith.constant 0 : i32
    %dma_wait3A_18 = tpu.memref_slice %arg9[%dma_wait3A_17] : memref<512xi32, #tpu.memory_space<vmem>> -> memref<128xi32, #tpu.memory_space<vmem>>
    %dma_wait3A_19 = arith.constant 0 : i32
    %dma_wait3A_20 = tpu.memref_slice %arg3[%dma_wait3A_19] : memref<1001472xi32, #tpu.memory_space<hbm>> -> memref<1001472xi32, #tpu.memory_space<hbm>>
    tpu.wait_indirect_dma semaphore(%arg15 : memref<!tpu.dma_semaphore, #tpu.memory_space<semaphore_mem>>) src(%dma_wait3A_20 : memref<1001472xi32, #tpu.memory_space<hbm>>) dst(%dma_wait3A_16 : memref<128xi32, #tpu.memory_space<vmem>>)
    %dma_start3A_21 = arith.constant 128 : i32
    %dma_start3A_22 = tpu.memref_slice %arg10[%dma_start3A_21] : memref<512xi32, #tpu.memory_space<vmem>> -> memref<128xi32, #tpu.memory_space<vmem>>
    %dma_start3A_23 = arith.constant 128 : i32
    %dma_start3A_24 = tpu.memref_slice %arg9[%dma_start3A_23] : memref<512xi32, #tpu.memory_space<vmem>> -> memref<128xi32, #tpu.memory_space<vmem>>
    %dma_start3A_25 = arith.constant 0 : i32
    %dma_start3A_26 = tpu.memref_slice %arg3[%dma_start3A_25] : memref<1001472xi32, #tpu.memory_space<hbm>> -> memref<1001472xi32, #tpu.memory_space<hbm>>
    tpu.enqueue_indirect_dma source(%dma_start3A_26 : memref<1001472xi32, #tpu.memory_space<hbm>>) target(%dma_start3A_22 : memref<128xi32, #tpu.memory_space<vmem>>) offsets(%dma_start3A_24 : memref<128xi32, #tpu.memory_space<vmem>>) semaphore(%arg15 : memref<!tpu.dma_semaphore, #tpu.memory_space<semaphore_mem>>)
    %dma_wait3A_27 = arith.constant 128 : i32
    %dma_wait3A_28 = tpu.memref_slice %arg10[%dma_wait3A_27] : memref<512xi32, #tpu.memory_space<vmem>> -> memref<128xi32, #tpu.memory_space<vmem>>
    %dma_wait3A_29 = arith.constant 128 : i32
    %dma_wait3A_30 = tpu.memref_slice %arg9[%dma_wait3A_29] : memref<512xi32, #tpu.memory_space<vmem>> -> memref<128xi32, #tpu.memory_space<vmem>>
    %dma_wait3A_31 = arith.constant 0 : i32
    %dma_wait3A_32 = tpu.memref_slice %arg3[%dma_wait3A_31] : memref<1001472xi32, #tpu.memory_space<hbm>> -> memref<1001472xi32, #tpu.memory_space<hbm>>
    tpu.wait_indirect_dma semaphore(%arg15 : memref<!tpu.dma_semaphore, #tpu.memory_space<semaphore_mem>>) src(%dma_wait3A_32 : memref<1001472xi32, #tpu.memory_space<hbm>>) dst(%dma_wait3A_28 : memref<128xi32, #tpu.memory_space<vmem>>)
    %dma_start3A_33 = arith.constant 256 : i32
    %dma_start3A_34 = tpu.memref_slice %arg10[%dma_start3A_33] : memref<512xi32, #tpu.memory_space<vmem>> -> memref<128xi32, #tpu.memory_space<vmem>>
    %dma_start3A_35 = arith.constant 256 : i32
    %dma_start3A_36 = tpu.memref_slice %arg9[%dma_start3A_35] : memref<512xi32, #tpu.memory_space<vmem>> -> memref<128xi32, #tpu.memory_space<vmem>>
    %dma_start3A_37 = arith.constant 0 : i32
    %dma_start3A_38 = tpu.memref_slice %arg3[%dma_start3A_37] : memref<1001472xi32, #tpu.memory_space<hbm>> -> memref<1001472xi32, #tpu.memory_space<hbm>>
    tpu.enqueue_indirect_dma source(%dma_start3A_38 : memref<1001472xi32, #tpu.memory_space<hbm>>) target(%dma_start3A_34 : memref<128xi32, #tpu.memory_space<vmem>>) offsets(%dma_start3A_36 : memref<128xi32, #tpu.memory_space<vmem>>) semaphore(%arg15 : memref<!tpu.dma_semaphore, #tpu.memory_space<semaphore_mem>>)
    %dma_wait3A_39 = arith.constant 256 : i32
    %dma_wait3A_40 = tpu.memref_slice %arg10[%dma_wait3A_39] : memref<512xi32, #tpu.memory_space<vmem>> -> memref<128xi32, #tpu.memory_space<vmem>>
    %dma_wait3A_41 = arith.constant 256 : i32
    %dma_wait3A_42 = tpu.memref_slice %arg9[%dma_wait3A_41] : memref<512xi32, #tpu.memory_space<vmem>> -> memref<128xi32, #tpu.memory_space<vmem>>
    %dma_wait3A_43 = arith.constant 0 : i32
    %dma_wait3A_44 = tpu.memref_slice %arg3[%dma_wait3A_43] : memref<1001472xi32, #tpu.memory_space<hbm>> -> memref<1001472xi32, #tpu.memory_space<hbm>>
    tpu.wait_indirect_dma semaphore(%arg15 : memref<!tpu.dma_semaphore, #tpu.memory_space<semaphore_mem>>) src(%dma_wait3A_44 : memref<1001472xi32, #tpu.memory_space<hbm>>) dst(%dma_wait3A_40 : memref<128xi32, #tpu.memory_space<vmem>>)
    %dma_start3A_45 = arith.constant 384 : i32
    %dma_start3A_46 = tpu.memref_slice %arg10[%dma_start3A_45] : memref<512xi32, #tpu.memory_space<vmem>> -> memref<128xi32, #tpu.memory_space<vmem>>
    %dma_start3A_47 = arith.constant 384 : i32
    %dma_start3A_48 = tpu.memref_slice %arg9[%dma_start3A_47] : memref<512xi32, #tpu.memory_space<vmem>> -> memref<128xi32, #tpu.memory_space<vmem>>
    %dma_start3A_49 = arith.constant 0 : i32
    %dma_start3A_50 = tpu.memref_slice %arg3[%dma_start3A_49] : memref<1001472xi32, #tpu.memory_space<hbm>> -> memref<1001472xi32, #tpu.memory_space<hbm>>
    tpu.enqueue_indirect_dma source(%dma_start3A_50 : memref<1001472xi32, #tpu.memory_space<hbm>>) target(%dma_start3A_46 : memref<128xi32, #tpu.memory_space<vmem>>) offsets(%dma_start3A_48 : memref<128xi32, #tpu.memory_space<vmem>>) semaphore(%arg15 : memref<!tpu.dma_semaphore, #tpu.memory_space<semaphore_mem>>)
    %dma_wait3A_51 = arith.constant 384 : i32
    %dma_wait3A_52 = tpu.memref_slice %arg10[%dma_wait3A_51] : memref<512xi32, #tpu.memory_space<vmem>> -> memref<128xi32, #tpu.memory_space<vmem>>
    %dma_wait3A_53 = arith.constant 384 : i32
    %dma_wait3A_54 = tpu.memref_slice %arg9[%dma_wait3A_53] : memref<512xi32, #tpu.memory_space<vmem>> -> memref<128xi32, #tpu.memory_space<vmem>>
    %dma_wait3A_55 = arith.constant 0 : i32
    %dma_wait3A_56 = tpu.memref_slice %arg3[%dma_wait3A_55] : memref<1001472xi32, #tpu.memory_space<hbm>> -> memref<1001472xi32, #tpu.memory_space<hbm>>
    tpu.wait_indirect_dma semaphore(%arg15 : memref<!tpu.dma_semaphore, #tpu.memory_space<semaphore_mem>>) src(%dma_wait3A_56 : memref<1001472xi32, #tpu.memory_space<hbm>>) dst(%dma_wait3A_52 : memref<128xi32, #tpu.memory_space<vmem>>)
    %scan3A = arith.constant 0 : i32
    %scan3A_57 = arith.constant 32 : i32
    %scan3A_58 = arith.addi %scan3A, %scan3A_57 : i32
    %scan3A_59 = arith.constant 1 : i32
    scf.for %scan3A_137 = %scan3A to %scan3A_58 step %scan3A_59  : i32 {
      %mul3A_138 = arith.constant 1 : i32
      %mul3A_139 = arith.muli %scan3A_137, %mul3A_138 : i32
      %add3A_140 = arith.constant 0 : i32
      %add3A_141 = arith.addi %add3A_140, %mul3A_139 : i32
      %mul3A_142 = arith.constant 16 : i32
      %mul3A_143 = arith.muli %add3A_141, %mul3A_142 : i32
      %get3A = arith.index_cast %mul3A_143 : i32 to index
      %get3A_144 = tpu.vector_load %arg10[%get3A] {strides = array<i32>} : memref<512xi32, #tpu.memory_space<vmem>>, vector<16xi32>,
      %shift_right_arithmetic3A = arith.constant 1 : i32
      %shift_right_arithmetic3A_145 = vector.broadcast %shift_right_arithmetic3A : i32 to vector<16xi32>
      %shift_right_arithmetic3A_146 = arith.shrsi %get3A_144, %shift_right_arithmetic3A_145 : vector<16xi32>
      %and3A = arith.constant 1 : i32
      %and3A_147 = vector.broadcast %and3A : i32 to vector<16xi32>
      %and3A_148 = arith.andi %get3A_144, %and3A_147 : vector<16xi32>
      %add3A_149 = arith.addi %multiple_of3A, %mul3A_143 : i32
      %iota3A = tpu.iota {dimensions = array<i32: 0>} : vector<16xi32>
      %add3A_150 = vector.broadcast %add3A_149 : i32 to vector<16xi32>
      %add3A_151 = arith.addi %add3A_150, %iota3A : vector<16xi32>
      %ne3A = arith.constant 0 : i32
      %ne3A_152 = vector.broadcast %ne3A : i32 to vector<16xi32>
      %ne3A_153 = arith.cmpi ne, %and3A_148, %ne3A_152 : vector<16xi32>
      %max3A = arith.constant 0 : i32
      %max3A_154 = vector.broadcast %max3A : i32 to vector<16xi32>
      %max3A_155 = arith.maxsi %shift_right_arithmetic3A_146, %max3A_154 : vector<16xi32>
      %and3A_156 = arith.constant 16383 : i32
      %and3A_157 = vector.broadcast %and3A_156 : i32 to vector<16xi32>
      %and3A_158 = arith.andi %add3A_151, %and3A_157 : vector<16xi32>
      %select_n3A = arith.select %ne3A_153, %max3A_155, %and3A_158 : vector<16xi1>, vector<16xi32>
      %swap3A = arith.index_cast %mul3A_143 : i32 to index
      %swap3A_159 = tpu.vector_load %arg10[%swap3A] {strides = array<i32>} : memref<512xi32, #tpu.memory_space<vmem>>, vector<16xi32>,
      tpu.vector_store %arg10[%swap3A], %shift_right_arithmetic3A_146 {strides = array<i32>} : memref<512xi32, #tpu.memory_space<vmem>>, vector<16xi32>,
      %swap3A_160 = arith.index_cast %mul3A_143 : i32 to index
      %swap3A_161 = tpu.vector_load %arg11[%swap3A_160] {strides = array<i32>} : memref<512xi32, #tpu.memory_space<vmem>>, vector<16xi32>,
      tpu.vector_store %arg11[%swap3A_160], %and3A_148 {strides = array<i32>} : memref<512xi32, #tpu.memory_space<vmem>>, vector<16xi32>,
      %jit3A = arith.constant 8 : i32
      %div3A = arith.divsi %add3A_141, %jit3A : i32
      %sign3A = arith.constant 0 : i32
      %sign3A_162 = arith.cmpi sgt, %add3A_141, %sign3A : i32
      %sign3A_163 = arith.extui %sign3A_162 : i1 to i32
      %sign3A_164 = arith.constant 0 : i32
      %sign3A_165 = arith.cmpi slt, %add3A_141, %sign3A_164 : i32
      %sign3A_166 = arith.extui %sign3A_165 : i1 to i32
      %sign3A_167 = arith.subi %sign3A_163, %sign3A_166 : i32
      %sign3A_168 = arith.constant 0 : i32
      %sign3A_169 = arith.cmpi sgt, %jit3A, %sign3A_168 : i32
      %sign3A_170 = arith.extui %sign3A_169 : i1 to i32
      %sign3A_171 = arith.constant 0 : i32
      %sign3A_172 = arith.cmpi slt, %jit3A, %sign3A_171 : i32
      %sign3A_173 = arith.extui %sign3A_172 : i1 to i32
      %sign3A_174 = arith.subi %sign3A_170, %sign3A_173 : i32
      %ne3A_175 = arith.cmpi ne, %sign3A_167, %sign3A_174 : i32
      %rem3A = arith.remsi %add3A_141, %jit3A : i32
      %ne3A_176 = arith.constant 0 : i32
      %ne3A_177 = arith.cmpi ne, %rem3A, %ne3A_176 : i32
      %and3A_178 = arith.andi %ne3A_175, %ne3A_177 : i1
      %sub3A = arith.constant 1 : i32
      %sub3A_179 = arith.subi %div3A, %sub3A : i32
      %select_n3A_180 = arith.select %and3A_178, %sub3A_179, %div3A : i32
      %jit3A_181 = arith.constant 8 : i32
      %eq3A = arith.constant 0 : i32
      %eq3A_182 = arith.cmpi eq, %jit3A_181, %eq3A : i32
      %jit3A_183 = arith.constant 1 : i32
      %select_n3A_184 = arith.select %eq3A_182, %jit3A_183, %jit3A_181 : i32
      %rem3A_185 = arith.remsi %add3A_141, %select_n3A_184 : i32
      %ne3A_186 = arith.constant 0 : i32
      %ne3A_187 = arith.cmpi ne, %rem3A_185, %ne3A_186 : i32
      %lt3A = arith.constant 0 : i32
      %lt3A_188 = arith.cmpi slt, %rem3A_185, %lt3A : i32
      %lt3A_189 = arith.constant 0 : i32
      %lt3A_190 = arith.cmpi slt, %select_n3A_184, %lt3A_189 : i32
      %ne3A_191 = arith.xori %lt3A_188, %lt3A_190 : i1
      %and3A_192 = arith.andi %ne3A_191, %ne3A_187 : i1
      %add3A_193 = arith.addi %rem3A_185, %select_n3A_184 : i32
      %select_n3A_194 = arith.select %and3A_192, %add3A_193, %rem3A_185 : i32
      %mul3A_195 = arith.constant 16 : i32
      %mul3A_196 = arith.muli %select_n3A_194, %mul3A_195 : i32
      %swap3A_197 = arith.index_cast %select_n3A_180 : i32 to index
      %swap3A_198 = arith.index_cast %mul3A_196 : i32 to index
      %swap3A_199 = tpu.vector_load %arg12[%swap3A_197, %swap3A_198] {strides = array<i32>} : memref<4x128xi32, #tpu.memory_space<vmem>>, vector<16xi32>,
      tpu.vector_store %arg12[%swap3A_197, %swap3A_198], %select_n3A {strides = array<i32>} : memref<4x128xi32, #tpu.memory_space<vmem>>, vector<16xi32>,
    }
    %scan3A_60 = arith.constant 32 : i32
    %dma_start3A_61 = arith.constant 0 : i32
    %dma_start3A_62 = arith.constant 0 : i32
    %dma_start3A_63 = tpu.memref_slice %arg12[%dma_start3A_61, %dma_start3A_62] : memref<4x128xi32, #tpu.memory_space<vmem>> -> memref<1x128xi32, #tpu.memory_space<vmem>>
    %dma_start3A_64 = tpu.memref_squeeze %dma_start3A_63 : memref<1x128xi32, #tpu.memory_space<vmem>> -> memref<128xi32, #tpu.memory_space<vmem>>
    %dma_start3A_65 = arith.constant 0 : i32
    %dma_start3A_66 = arith.constant 0 : i32
    %dma_start3A_67 = tpu.memref_slice %arg5[%dma_start3A_65, %dma_start3A_66] : memref<500000x128xf32, #tpu.memory_space<hbm>> -> memref<500000x128xf32, #tpu.memory_space<hbm>>
    tpu.enqueue_indirect_dma source(%dma_start3A_67 : memref<500000x128xf32, #tpu.memory_space<hbm>>) target(%arg13 : memref<128x128xf32, #tpu.memory_space<vmem>>) offsets(%dma_start3A_64 : memref<128xi32, #tpu.memory_space<vmem>>) semaphore(%arg15 : memref<!tpu.dma_semaphore, #tpu.memory_space<semaphore_mem>>)
    %dma_wait3A_68 = arith.constant 0 : i32
    %dma_wait3A_69 = arith.constant 0 : i32
    %dma_wait3A_70 = tpu.memref_slice %arg12[%dma_wait3A_68, %dma_wait3A_69] : memref<4x128xi32, #tpu.memory_space<vmem>> -> memref<1x128xi32, #tpu.memory_space<vmem>>
    %dma_wait3A_71 = tpu.memref_squeeze %dma_wait3A_70 : memref<1x128xi32, #tpu.memory_space<vmem>> -> memref<128xi32, #tpu.memory_space<vmem>>
    %dma_wait3A_72 = arith.constant 0 : i32
    %dma_wait3A_73 = arith.constant 0 : i32
    %dma_wait3A_74 = tpu.memref_slice %arg5[%dma_wait3A_72, %dma_wait3A_73] : memref<500000x128xf32, #tpu.memory_space<hbm>> -> memref<500000x128xf32, #tpu.memory_space<hbm>>
    tpu.wait_indirect_dma semaphore(%arg15 : memref<!tpu.dma_semaphore, #tpu.memory_space<semaphore_mem>>) src(%dma_wait3A_74 : memref<500000x128xf32, #tpu.memory_space<hbm>>) dst(%arg13 : memref<128x128xf32, #tpu.memory_space<vmem>>)
    %scan3A_75 = arith.constant 0 : i32
    %scan3A_76 = arith.constant 128 : i32
    %scan3A_77 = arith.addi %scan3A_75, %scan3A_76 : i32
    %scan3A_78 = arith.constant 1 : i32
    scf.for %scan3A_137 = %scan3A_75 to %scan3A_77 step %scan3A_78  : i32 {
      %mul3A_138 = arith.constant 1 : i32
      %mul3A_139 = arith.muli %scan3A_137, %mul3A_138 : i32
      %add3A_140 = arith.constant 0 : i32
      %add3A_141 = arith.addi %add3A_140, %mul3A_139 : i32
      %add3A_142 = arith.constant 0 : i32
      %add3A_143 = arith.addi %add3A_142, %add3A_141 : i32
      %broadcast_in_dim3A = vector.broadcast %add3A_143 : i32 to vector<16xi32>
      %gather3A = tpu.vector_load_idx %arg11[%broadcast_in_dim3A] : memref<512xi32, #tpu.memory_space<vmem>>[vector<16xi32>], vector<16xi32>,
      %ne3A = arith.constant 0 : i32
      %ne3A_144 = vector.broadcast %ne3A : i32 to vector<16xi32>
      %ne3A_145 = arith.cmpi ne, %gather3A, %ne3A_144 : vector<16xi32>
      %iota3A = tpu.iota {dimensions = array<i32: 0>} : vector<16xi32>
      %add3A_146 = arith.constant 0 : i32
      %add3A_147 = vector.broadcast %add3A_146 : i32 to vector<16xi32>
      %add3A_148 = arith.addi %add3A_147, %iota3A : vector<16xi32>
      %broadcast_in_dim3A_149 = vector.broadcast %add3A_141 : i32 to vector<16xi32>
      %gather3A_150 = tpu.vector_load_idx %arg13[%broadcast_in_dim3A_149, %add3A_148] : memref<128x128xf32, #tpu.memory_space<vmem>>[vector<16xi32>, vector<16xi32>], vector<16xf32>,
      %broadcast_in_dim3A_151 = vector.broadcast %add3A_143 : i32 to vector<16xi32>
      tpu.vector_store_idx %arg14[%broadcast_in_dim3A_151, %add3A_148], %gather3A_150 masked %ne3A_145 : memref<512x64xf32, #tpu.memory_space<vmem>>[vector<16xi32>, vector<16xi32>], vector<16xf32>, vector<16xi1>
      %iota3A_152 = tpu.iota {dimensions = array<i32: 0>} : vector<16xi32>
      %add3A_153 = arith.constant 16 : i32
      %add3A_154 = vector.broadcast %add3A_153 : i32 to vector<16xi32>
      %add3A_155 = arith.addi %add3A_154, %iota3A_152 : vector<16xi32>
      %broadcast_in_dim3A_156 = vector.broadcast %add3A_141 : i32 to vector<16xi32>
      %gather3A_157 = tpu.vector_load_idx %arg13[%broadcast_in_dim3A_156, %add3A_155] : memref<128x128xf32, #tpu.memory_space<vmem>>[vector<16xi32>, vector<16xi32>], vector<16xf32>,
      %broadcast_in_dim3A_158 = vector.broadcast %add3A_143 : i32 to vector<16xi32>
      tpu.vector_store_idx %arg14[%broadcast_in_dim3A_158, %add3A_155], %gather3A_157 masked %ne3A_145 : memref<512x64xf32, #tpu.memory_space<vmem>>[vector<16xi32>, vector<16xi32>], vector<16xf32>, vector<16xi1>
      %iota3A_159 = tpu.iota {dimensions = array<i32: 0>} : vector<16xi32>
      %add3A_160 = arith.constant 32 : i32
      %add3A_161 = vector.broadcast %add3A_160 : i32 to vector<16xi32>
      %add3A_162 = arith.addi %add3A_161, %iota3A_159 : vector<16xi32>
      %broadcast_in_dim3A_163 = vector.broadcast %add3A_141 : i32 to vector<16xi32>
      %gather3A_164 = tpu.vector_load_idx %arg13[%broadcast_in_dim3A_163, %add3A_162] : memref<128x128xf32, #tpu.memory_space<vmem>>[vector<16xi32>, vector<16xi32>], vector<16xf32>,
      %broadcast_in_dim3A_165 = vector.broadcast %add3A_143 : i32 to vector<16xi32>
      tpu.vector_store_idx %arg14[%broadcast_in_dim3A_165, %add3A_162], %gather3A_164 masked %ne3A_145 : memref<512x64xf32, #tpu.memory_space<vmem>>[vector<16xi32>, vector<16xi32>], vector<16xf32>, vector<16xi1>
      %iota3A_166 = tpu.iota {dimensions = array<i32: 0>} : vector<16xi32>
      %add3A_167 = arith.constant 48 : i32
      %add3A_168 = vector.broadcast %add3A_167 : i32 to vector<16xi32>
      %add3A_169 = arith.addi %add3A_168, %iota3A_166 : vector<16xi32>
      %broadcast_in_dim3A_170 = vector.broadcast %add3A_141 : i32 to vector<16xi32>
      %gather3A_171 = tpu.vector_load_idx %arg13[%broadcast_in_dim3A_170, %add3A_169] : memref<128x128xf32, #tpu.memory_space<vmem>>[vector<16xi32>, vector<16xi32>], vector<16xf32>,
      %broadcast_in_dim3A_172 = vector.broadcast %add3A_143 : i32 to vector<16xi32>
      tpu.vector_store_idx %arg14[%broadcast_in_dim3A_172, %add3A_169], %gather3A_171 masked %ne3A_145 : memref<512x64xf32, #tpu.memory_space<vmem>>[vector<16xi32>, vector<16xi32>], vector<16xf32>, vector<16xi1>
    }
    %scan3A_79 = arith.constant 128 : i32
    %dma_start3A_80 = arith.constant 1 : i32
    %dma_start3A_81 = arith.constant 0 : i32
    %dma_start3A_82 = tpu.memref_slice %arg12[%dma_start3A_80, %dma_start3A_81] : memref<4x128xi32, #tpu.memory_space<vmem>> -> memref<1x128xi32, #tpu.memory_space<vmem>>
    %dma_start3A_83 = tpu.memref_squeeze %dma_start3A_82 : memref<1x128xi32, #tpu.memory_space<vmem>> -> memref<128xi32, #tpu.memory_space<vmem>>
    %dma_start3A_84 = arith.constant 0 : i32
    %dma_start3A_85 = arith.constant 0 : i32
    %dma_start3A_86 = tpu.memref_slice %arg5[%dma_start3A_84, %dma_start3A_85] : memref<500000x128xf32, #tpu.memory_space<hbm>> -> memref<500000x128xf32, #tpu.memory_space<hbm>>
    tpu.enqueue_indirect_dma source(%dma_start3A_86 : memref<500000x128xf32, #tpu.memory_space<hbm>>) target(%arg13 : memref<128x128xf32, #tpu.memory_space<vmem>>) offsets(%dma_start3A_83 : memref<128xi32, #tpu.memory_space<vmem>>) semaphore(%arg15 : memref<!tpu.dma_semaphore, #tpu.memory_space<semaphore_mem>>)
    %dma_wait3A_87 = arith.constant 1 : i32
    %dma_wait3A_88 = arith.constant 0 : i32
    %dma_wait3A_89 = tpu.memref_slice %arg12[%dma_wait3A_87, %dma_wait3A_88] : memref<4x128xi32, #tpu.memory_space<vmem>> -> memref<1x128xi32, #tpu.memory_space<vmem>>
    %dma_wait3A_90 = tpu.memref_squeeze %dma_wait3A_89 : memref<1x128xi32, #tpu.memory_space<vmem>> -> memref<128xi32, #tpu.memory_space<vmem>>
    %dma_wait3A_91 = arith.constant 0 : i32
    %dma_wait3A_92 = arith.constant 0 : i32
    %dma_wait3A_93 = tpu.memref_slice %arg5[%dma_wait3A_91, %dma_wait3A_92] : memref<500000x128xf32, #tpu.memory_space<hbm>> -> memref<500000x128xf32, #tpu.memory_space<hbm>>
    tpu.wait_indirect_dma semaphore(%arg15 : memref<!tpu.dma_semaphore, #tpu.memory_space<semaphore_mem>>) src(%dma_wait3A_93 : memref<500000x128xf32, #tpu.memory_space<hbm>>) dst(%arg13 : memref<128x128xf32, #tpu.memory_space<vmem>>)
    %scan3A_94 = arith.constant 0 : i32
    %scan3A_95 = arith.constant 128 : i32
    %scan3A_96 = arith.addi %scan3A_94, %scan3A_95 : i32
    %scan3A_97 = arith.constant 1 : i32
    scf.for %scan3A_137 = %scan3A_94 to %scan3A_96 step %scan3A_97  : i32 {
      %mul3A_138 = arith.constant 1 : i32
      %mul3A_139 = arith.muli %scan3A_137, %mul3A_138 : i32
      %add3A_140 = arith.constant 0 : i32
      %add3A_141 = arith.addi %add3A_140, %mul3A_139 : i32
      %add3A_142 = arith.constant 128 : i32
      %add3A_143 = arith.addi %add3A_142, %add3A_141 : i32
      %broadcast_in_dim3A = vector.broadcast %add3A_143 : i32 to vector<16xi32>
      %gather3A = tpu.vector_load_idx %arg11[%broadcast_in_dim3A] : memref<512xi32, #tpu.memory_space<vmem>>[vector<16xi32>], vector<16xi32>,
      %ne3A = arith.constant 0 : i32
      %ne3A_144 = vector.broadcast %ne3A : i32 to vector<16xi32>
      %ne3A_145 = arith.cmpi ne, %gather3A, %ne3A_144 : vector<16xi32>
      %iota3A = tpu.iota {dimensions = array<i32: 0>} : vector<16xi32>
      %add3A_146 = arith.constant 0 : i32
      %add3A_147 = vector.broadcast %add3A_146 : i32 to vector<16xi32>
      %add3A_148 = arith.addi %add3A_147, %iota3A : vector<16xi32>
      %broadcast_in_dim3A_149 = vector.broadcast %add3A_141 : i32 to vector<16xi32>
      %gather3A_150 = tpu.vector_load_idx %arg13[%broadcast_in_dim3A_149, %add3A_148] : memref<128x128xf32, #tpu.memory_space<vmem>>[vector<16xi32>, vector<16xi32>], vector<16xf32>,
      %broadcast_in_dim3A_151 = vector.broadcast %add3A_143 : i32 to vector<16xi32>
      tpu.vector_store_idx %arg14[%broadcast_in_dim3A_151, %add3A_148], %gather3A_150 masked %ne3A_145 : memref<512x64xf32, #tpu.memory_space<vmem>>[vector<16xi32>, vector<16xi32>], vector<16xf32>, vector<16xi1>
      %iota3A_152 = tpu.iota {dimensions = array<i32: 0>} : vector<16xi32>
      %add3A_153 = arith.constant 16 : i32
      %add3A_154 = vector.broadcast %add3A_153 : i32 to vector<16xi32>
      %add3A_155 = arith.addi %add3A_154, %iota3A_152 : vector<16xi32>
      %broadcast_in_dim3A_156 = vector.broadcast %add3A_141 : i32 to vector<16xi32>
      %gather3A_157 = tpu.vector_load_idx %arg13[%broadcast_in_dim3A_156, %add3A_155] : memref<128x128xf32, #tpu.memory_space<vmem>>[vector<16xi32>, vector<16xi32>], vector<16xf32>,
      %broadcast_in_dim3A_158 = vector.broadcast %add3A_143 : i32 to vector<16xi32>
      tpu.vector_store_idx %arg14[%broadcast_in_dim3A_158, %add3A_155], %gather3A_157 masked %ne3A_145 : memref<512x64xf32, #tpu.memory_space<vmem>>[vector<16xi32>, vector<16xi32>], vector<16xf32>, vector<16xi1>
      %iota3A_159 = tpu.iota {dimensions = array<i32: 0>} : vector<16xi32>
      %add3A_160 = arith.constant 32 : i32
      %add3A_161 = vector.broadcast %add3A_160 : i32 to vector<16xi32>
      %add3A_162 = arith.addi %add3A_161, %iota3A_159 : vector<16xi32>
      %broadcast_in_dim3A_163 = vector.broadcast %add3A_141 : i32 to vector<16xi32>
      %gather3A_164 = tpu.vector_load_idx %arg13[%broadcast_in_dim3A_163, %add3A_162] : memref<128x128xf32, #tpu.memory_space<vmem>>[vector<16xi32>, vector<16xi32>], vector<16xf32>,
      %broadcast_in_dim3A_165 = vector.broadcast %add3A_143 : i32 to vector<16xi32>
      tpu.vector_store_idx %arg14[%broadcast_in_dim3A_165, %add3A_162], %gather3A_164 masked %ne3A_145 : memref<512x64xf32, #tpu.memory_space<vmem>>[vector<16xi32>, vector<16xi32>], vector<16xf32>, vector<16xi1>
      %iota3A_166 = tpu.iota {dimensions = array<i32: 0>} : vector<16xi32>
      %add3A_167 = arith.constant 48 : i32
      %add3A_168 = vector.broadcast %add3A_167 : i32 to vector<16xi32>
      %add3A_169 = arith.addi %add3A_168, %iota3A_166 : vector<16xi32>
      %broadcast_in_dim3A_170 = vector.broadcast %add3A_141 : i32 to vector<16xi32>
      %gather3A_171 = tpu.vector_load_idx %arg13[%broadcast_in_dim3A_170, %add3A_169] : memref<128x128xf32, #tpu.memory_space<vmem>>[vector<16xi32>, vector<16xi32>], vector<16xf32>,
      %broadcast_in_dim3A_172 = vector.broadcast %add3A_143 : i32 to vector<16xi32>
      tpu.vector_store_idx %arg14[%broadcast_in_dim3A_172, %add3A_169], %gather3A_171 masked %ne3A_145 : memref<512x64xf32, #tpu.memory_space<vmem>>[vector<16xi32>, vector<16xi32>], vector<16xf32>, vector<16xi1>
    }
    %scan3A_98 = arith.constant 128 : i32
    %dma_start3A_99 = arith.constant 2 : i32
    %dma_start3A_100 = arith.constant 0 : i32
    %dma_start3A_101 = tpu.memref_slice %arg12[%dma_start3A_99, %dma_start3A_100] : memref<4x128xi32, #tpu.memory_space<vmem>> -> memref<1x128xi32, #tpu.memory_space<vmem>>
    %dma_start3A_102 = tpu.memref_squeeze %dma_start3A_101 : memref<1x128xi32, #tpu.memory_space<vmem>> -> memref<128xi32, #tpu.memory_space<vmem>>
    %dma_start3A_103 = arith.constant 0 : i32
    %dma_start3A_104 = arith.constant 0 : i32
    %dma_start3A_105 = tpu.memref_slice %arg5[%dma_start3A_103, %dma_start3A_104] : memref<500000x128xf32, #tpu.memory_space<hbm>> -> memref<500000x128xf32, #tpu.memory_space<hbm>>
    tpu.enqueue_indirect_dma source(%dma_start3A_105 : memref<500000x128xf32, #tpu.memory_space<hbm>>) target(%arg13 : memref<128x128xf32, #tpu.memory_space<vmem>>) offsets(%dma_start3A_102 : memref<128xi32, #tpu.memory_space<vmem>>) semaphore(%arg15 : memref<!tpu.dma_semaphore, #tpu.memory_space<semaphore_mem>>)
    %dma_wait3A_106 = arith.constant 2 : i32
    %dma_wait3A_107 = arith.constant 0 : i32
    %dma_wait3A_108 = tpu.memref_slice %arg12[%dma_wait3A_106, %dma_wait3A_107] : memref<4x128xi32, #tpu.memory_space<vmem>> -> memref<1x128xi32, #tpu.memory_space<vmem>>
    %dma_wait3A_109 = tpu.memref_squeeze %dma_wait3A_108 : memref<1x128xi32, #tpu.memory_space<vmem>> -> memref<128xi32, #tpu.memory_space<vmem>>
    %dma_wait3A_110 = arith.constant 0 : i32
    %dma_wait3A_111 = arith.constant 0 : i32
    %dma_wait3A_112 = tpu.memref_slice %arg5[%dma_wait3A_110, %dma_wait3A_111] : memref<500000x128xf32, #tpu.memory_space<hbm>> -> memref<500000x128xf32, #tpu.memory_space<hbm>>
    tpu.wait_indirect_dma semaphore(%arg15 : memref<!tpu.dma_semaphore, #tpu.memory_space<semaphore_mem>>) src(%dma_wait3A_112 : memref<500000x128xf32, #tpu.memory_space<hbm>>) dst(%arg13 : memref<128x128xf32, #tpu.memory_space<vmem>>)
    %scan3A_113 = arith.constant 0 : i32
    %scan3A_114 = arith.constant 128 : i32
    %scan3A_115 = arith.addi %scan3A_113, %scan3A_114 : i32
    %scan3A_116 = arith.constant 1 : i32
    scf.for %scan3A_137 = %scan3A_113 to %scan3A_115 step %scan3A_116  : i32 {
      %mul3A_138 = arith.constant 1 : i32
      %mul3A_139 = arith.muli %scan3A_137, %mul3A_138 : i32
      %add3A_140 = arith.constant 0 : i32
      %add3A_141 = arith.addi %add3A_140, %mul3A_139 : i32
      %add3A_142 = arith.constant 256 : i32
      %add3A_143 = arith.addi %add3A_142, %add3A_141 : i32
      %broadcast_in_dim3A = vector.broadcast %add3A_143 : i32 to vector<16xi32>
      %gather3A = tpu.vector_load_idx %arg11[%broadcast_in_dim3A] : memref<512xi32, #tpu.memory_space<vmem>>[vector<16xi32>], vector<16xi32>,
      %ne3A = arith.constant 0 : i32
      %ne3A_144 = vector.broadcast %ne3A : i32 to vector<16xi32>
      %ne3A_145 = arith.cmpi ne, %gather3A, %ne3A_144 : vector<16xi32>
      %iota3A = tpu.iota {dimensions = array<i32: 0>} : vector<16xi32>
      %add3A_146 = arith.constant 0 : i32
      %add3A_147 = vector.broadcast %add3A_146 : i32 to vector<16xi32>
      %add3A_148 = arith.addi %add3A_147, %iota3A : vector<16xi32>
      %broadcast_in_dim3A_149 = vector.broadcast %add3A_141 : i32 to vector<16xi32>
      %gather3A_150 = tpu.vector_load_idx %arg13[%broadcast_in_dim3A_149, %add3A_148] : memref<128x128xf32, #tpu.memory_space<vmem>>[vector<16xi32>, vector<16xi32>], vector<16xf32>,
      %broadcast_in_dim3A_151 = vector.broadcast %add3A_143 : i32 to vector<16xi32>
      tpu.vector_store_idx %arg14[%broadcast_in_dim3A_151, %add3A_148], %gather3A_150 masked %ne3A_145 : memref<512x64xf32, #tpu.memory_space<vmem>>[vector<16xi32>, vector<16xi32>], vector<16xf32>, vector<16xi1>
      %iota3A_152 = tpu.iota {dimensions = array<i32: 0>} : vector<16xi32>
      %add3A_153 = arith.constant 16 : i32
      %add3A_154 = vector.broadcast %add3A_153 : i32 to vector<16xi32>
      %add3A_155 = arith.addi %add3A_154, %iota3A_152 : vector<16xi32>
      %broadcast_in_dim3A_156 = vector.broadcast %add3A_141 : i32 to vector<16xi32>
      %gather3A_157 = tpu.vector_load_idx %arg13[%broadcast_in_dim3A_156, %add3A_155] : memref<128x128xf32, #tpu.memory_space<vmem>>[vector<16xi32>, vector<16xi32>], vector<16xf32>,
      %broadcast_in_dim3A_158 = vector.broadcast %add3A_143 : i32 to vector<16xi32>
      tpu.vector_store_idx %arg14[%broadcast_in_dim3A_158, %add3A_155], %gather3A_157 masked %ne3A_145 : memref<512x64xf32, #tpu.memory_space<vmem>>[vector<16xi32>, vector<16xi32>], vector<16xf32>, vector<16xi1>
      %iota3A_159 = tpu.iota {dimensions = array<i32: 0>} : vector<16xi32>
      %add3A_160 = arith.constant 32 : i32
      %add3A_161 = vector.broadcast %add3A_160 : i32 to vector<16xi32>
      %add3A_162 = arith.addi %add3A_161, %iota3A_159 : vector<16xi32>
      %broadcast_in_dim3A_163 = vector.broadcast %add3A_141 : i32 to vector<16xi32>
      %gather3A_164 = tpu.vector_load_idx %arg13[%broadcast_in_dim3A_163, %add3A_162] : memref<128x128xf32, #tpu.memory_space<vmem>>[vector<16xi32>, vector<16xi32>], vector<16xf32>,
      %broadcast_in_dim3A_165 = vector.broadcast %add3A_143 : i32 to vector<16xi32>
      tpu.vector_store_idx %arg14[%broadcast_in_dim3A_165, %add3A_162], %gather3A_164 masked %ne3A_145 : memref<512x64xf32, #tpu.memory_space<vmem>>[vector<16xi32>, vector<16xi32>], vector<16xf32>, vector<16xi1>
      %iota3A_166 = tpu.iota {dimensions = array<i32: 0>} : vector<16xi32>
      %add3A_167 = arith.constant 48 : i32
      %add3A_168 = vector.broadcast %add3A_167 : i32 to vector<16xi32>
      %add3A_169 = arith.addi %add3A_168, %iota3A_166 : vector<16xi32>
      %broadcast_in_dim3A_170 = vector.broadcast %add3A_141 : i32 to vector<16xi32>
      %gather3A_171 = tpu.vector_load_idx %arg13[%broadcast_in_dim3A_170, %add3A_169] : memref<128x128xf32, #tpu.memory_space<vmem>>[vector<16xi32>, vector<16xi32>], vector<16xf32>,
      %broadcast_in_dim3A_172 = vector.broadcast %add3A_143 : i32 to vector<16xi32>
      tpu.vector_store_idx %arg14[%broadcast_in_dim3A_172, %add3A_169], %gather3A_171 masked %ne3A_145 : memref<512x64xf32, #tpu.memory_space<vmem>>[vector<16xi32>, vector<16xi32>], vector<16xf32>, vector<16xi1>
    }
    %scan3A_117 = arith.constant 128 : i32
    %dma_start3A_118 = arith.constant 3 : i32
    %dma_start3A_119 = arith.constant 0 : i32
    %dma_start3A_120 = tpu.memref_slice %arg12[%dma_start3A_118, %dma_start3A_119] : memref<4x128xi32, #tpu.memory_space<vmem>> -> memref<1x128xi32, #tpu.memory_space<vmem>>
    %dma_start3A_121 = tpu.memref_squeeze %dma_start3A_120 : memref<1x128xi32, #tpu.memory_space<vmem>> -> memref<128xi32, #tpu.memory_space<vmem>>
    %dma_start3A_122 = arith.constant 0 : i32
    %dma_start3A_123 = arith.constant 0 : i32
    %dma_start3A_124 = tpu.memref_slice %arg5[%dma_start3A_122, %dma_start3A_123] : memref<500000x128xf32, #tpu.memory_space<hbm>> -> memref<500000x128xf32, #tpu.memory_space<hbm>>
    tpu.enqueue_indirect_dma source(%dma_start3A_124 : memref<500000x128xf32, #tpu.memory_space<hbm>>) target(%arg13 : memref<128x128xf32, #tpu.memory_space<vmem>>) offsets(%dma_start3A_121 : memref<128xi32, #tpu.memory_space<vmem>>) semaphore(%arg15 : memref<!tpu.dma_semaphore, #tpu.memory_space<semaphore_mem>>)
    %dma_wait3A_125 = arith.constant 3 : i32
    %dma_wait3A_126 = arith.constant 0 : i32
    %dma_wait3A_127 = tpu.memref_slice %arg12[%dma_wait3A_125, %dma_wait3A_126] : memref<4x128xi32, #tpu.memory_space<vmem>> -> memref<1x128xi32, #tpu.memory_space<vmem>>
    %dma_wait3A_128 = tpu.memref_squeeze %dma_wait3A_127 : memref<1x128xi32, #tpu.memory_space<vmem>> -> memref<128xi32, #tpu.memory_space<vmem>>
    %dma_wait3A_129 = arith.constant 0 : i32
    %dma_wait3A_130 = arith.constant 0 : i32
    %dma_wait3A_131 = tpu.memref_slice %arg5[%dma_wait3A_129, %dma_wait3A_130] : memref<500000x128xf32, #tpu.memory_space<hbm>> -> memref<500000x128xf32, #tpu.memory_space<hbm>>
    tpu.wait_indirect_dma semaphore(%arg15 : memref<!tpu.dma_semaphore, #tpu.memory_space<semaphore_mem>>) src(%dma_wait3A_131 : memref<500000x128xf32, #tpu.memory_space<hbm>>) dst(%arg13 : memref<128x128xf32, #tpu.memory_space<vmem>>)
    %scan3A_132 = arith.constant 0 : i32
    %scan3A_133 = arith.constant 128 : i32
    %scan3A_134 = arith.addi %scan3A_132, %scan3A_133 : i32
    %scan3A_135 = arith.constant 1 : i32
    scf.for %scan3A_137 = %scan3A_132 to %scan3A_134 step %scan3A_135  : i32 {
      %mul3A_138 = arith.constant 1 : i32
      %mul3A_139 = arith.muli %scan3A_137, %mul3A_138 : i32
      %add3A_140 = arith.constant 0 : i32
      %add3A_141 = arith.addi %add3A_140, %mul3A_139 : i32
      %add3A_142 = arith.constant 384 : i32
      %add3A_143 = arith.addi %add3A_142, %add3A_141 : i32
      %broadcast_in_dim3A = vector.broadcast %add3A_143 : i32 to vector<16xi32>
      %gather3A = tpu.vector_load_idx %arg11[%broadcast_in_dim3A] : memref<512xi32, #tpu.memory_space<vmem>>[vector<16xi32>], vector<16xi32>,
      %ne3A = arith.constant 0 : i32
      %ne3A_144 = vector.broadcast %ne3A : i32 to vector<16xi32>
      %ne3A_145 = arith.cmpi ne, %gather3A, %ne3A_144 : vector<16xi32>
      %iota3A = tpu.iota {dimensions = array<i32: 0>} : vector<16xi32>
      %add3A_146 = arith.constant 0 : i32
      %add3A_147 = vector.broadcast %add3A_146 : i32 to vector<16xi32>
      %add3A_148 = arith.addi %add3A_147, %iota3A : vector<16xi32>
      %broadcast_in_dim3A_149 = vector.broadcast %add3A_141 : i32 to vector<16xi32>
      %gather3A_150 = tpu.vector_load_idx %arg13[%broadcast_in_dim3A_149, %add3A_148] : memref<128x128xf32, #tpu.memory_space<vmem>>[vector<16xi32>, vector<16xi32>], vector<16xf32>,
      %broadcast_in_dim3A_151 = vector.broadcast %add3A_143 : i32 to vector<16xi32>
      tpu.vector_store_idx %arg14[%broadcast_in_dim3A_151, %add3A_148], %gather3A_150 masked %ne3A_145 : memref<512x64xf32, #tpu.memory_space<vmem>>[vector<16xi32>, vector<16xi32>], vector<16xf32>, vector<16xi1>
      %iota3A_152 = tpu.iota {dimensions = array<i32: 0>} : vector<16xi32>
      %add3A_153 = arith.constant 16 : i32
      %add3A_154 = vector.broadcast %add3A_153 : i32 to vector<16xi32>
      %add3A_155 = arith.addi %add3A_154, %iota3A_152 : vector<16xi32>
      %broadcast_in_dim3A_156 = vector.broadcast %add3A_141 : i32 to vector<16xi32>
      %gather3A_157 = tpu.vector_load_idx %arg13[%broadcast_in_dim3A_156, %add3A_155] : memref<128x128xf32, #tpu.memory_space<vmem>>[vector<16xi32>, vector<16xi32>], vector<16xf32>,
      %broadcast_in_dim3A_158 = vector.broadcast %add3A_143 : i32 to vector<16xi32>
      tpu.vector_store_idx %arg14[%broadcast_in_dim3A_158, %add3A_155], %gather3A_157 masked %ne3A_145 : memref<512x64xf32, #tpu.memory_space<vmem>>[vector<16xi32>, vector<16xi32>], vector<16xf32>, vector<16xi1>
      %iota3A_159 = tpu.iota {dimensions = array<i32: 0>} : vector<16xi32>
      %add3A_160 = arith.constant 32 : i32
      %add3A_161 = vector.broadcast %add3A_160 : i32 to vector<16xi32>
      %add3A_162 = arith.addi %add3A_161, %iota3A_159 : vector<16xi32>
      %broadcast_in_dim3A_163 = vector.broadcast %add3A_141 : i32 to vector<16xi32>
      %gather3A_164 = tpu.vector_load_idx %arg13[%broadcast_in_dim3A_163, %add3A_162] : memref<128x128xf32, #tpu.memory_space<vmem>>[vector<16xi32>, vector<16xi32>], vector<16xf32>,
      %broadcast_in_dim3A_165 = vector.broadcast %add3A_143 : i32 to vector<16xi32>
      tpu.vector_store_idx %arg14[%broadcast_in_dim3A_165, %add3A_162], %gather3A_164 masked %ne3A_145 : memref<512x64xf32, #tpu.memory_space<vmem>>[vector<16xi32>, vector<16xi32>], vector<16xf32>, vector<16xi1>
      %iota3A_166 = tpu.iota {dimensions = array<i32: 0>} : vector<16xi32>
      %add3A_167 = arith.constant 48 : i32
      %add3A_168 = vector.broadcast %add3A_167 : i32 to vector<16xi32>
      %add3A_169 = arith.addi %add3A_168, %iota3A_166 : vector<16xi32>
      %broadcast_in_dim3A_170 = vector.broadcast %add3A_141 : i32 to vector<16xi32>
      %gather3A_171 = tpu.vector_load_idx %arg13[%broadcast_in_dim3A_170, %add3A_169] : memref<128x128xf32, #tpu.memory_space<vmem>>[vector<16xi32>, vector<16xi32>], vector<16xf32>,
      %broadcast_in_dim3A_172 = vector.broadcast %add3A_143 : i32 to vector<16xi32>
      tpu.vector_store_idx %arg14[%broadcast_in_dim3A_172, %add3A_169], %gather3A_171 masked %ne3A_145 : memref<512x64xf32, #tpu.memory_space<vmem>>[vector<16xi32>, vector<16xi32>], vector<16xf32>, vector<16xi1>
    }
    %scan3A_136 = arith.constant 128 : i32
    "tpu.region"() ({
      %run_scoped3A = tpu.sem_alloc : memref<!tpu.dma_semaphore, #tpu.memory_space<semaphore_mem>>
      %dma_start3A_137 = arith.constant 0 : i32
      %dma_start3A_138 = tpu.memref_slice %arg6[%multiple_of3A, %dma_start3A_137] : memref<16384x64xf32, #tpu.memory_space<hbm>> -> memref<512x64xf32, #tpu.memory_space<hbm>>
      %dma_start3A_139 = arith.constant 0 : i32
      %dma_start3A_140 = tpu.memref_slice %arg6[%multiple_of3A, %dma_start3A_139] : memref<16384x64xf32, #tpu.memory_space<hbm>> -> memref<512x64xf32, #tpu.memory_space<hbm>>
      tpu.enqueue_dma source(%arg14 : memref<512x64xf32, #tpu.memory_space<vmem>>) target(%dma_start3A_140 : memref<512x64xf32, #tpu.memory_space<hbm>>) target_semaphore(%run_scoped3A : memref<!tpu.dma_semaphore, #tpu.memory_space<semaphore_mem>>)
      %dma_wait3A_141 = arith.constant 0 : i32
      %dma_wait3A_142 = tpu.memref_slice %arg6[%multiple_of3A, %dma_wait3A_141] : memref<16384x64xf32, #tpu.memory_space<hbm>> -> memref<512x64xf32, #tpu.memory_space<hbm>>
      %dma_wait3A_143 = arith.constant 0 : i32
      %dma_wait3A_144 = tpu.memref_slice %arg6[%multiple_of3A, %dma_wait3A_143] : memref<16384x64xf32, #tpu.memory_space<hbm>> -> memref<512x64xf32, #tpu.memory_space<hbm>>
      tpu.wait_dma2 semaphore(%run_scoped3A : memref<!tpu.dma_semaphore, #tpu.memory_space<semaphore_mem>>) src(%arg14 : memref<512x64xf32, #tpu.memory_space<vmem>>) dst(%dma_wait3A_144 : memref<512x64xf32, #tpu.memory_space<hbm>>)
      tpu.yield
    }) : () -> ()
    "tpu.region"() ({
      %run_scoped3A = tpu.sem_alloc : memref<!tpu.dma_semaphore, #tpu.memory_space<semaphore_mem>>
      %dma_start3A_137 = tpu.memref_slice %arg7[%multiple_of3A] : memref<16384xi32, #tpu.memory_space<hbm>> -> memref<512xi32, #tpu.memory_space<hbm>>
      %dma_start3A_138 = tpu.memref_slice %arg7[%multiple_of3A] : memref<16384xi32, #tpu.memory_space<hbm>> -> memref<512xi32, #tpu.memory_space<hbm>>
      tpu.enqueue_dma source(%arg10 : memref<512xi32, #tpu.memory_space<vmem>>) target(%dma_start3A_138 : memref<512xi32, #tpu.memory_space<hbm>>) target_semaphore(%run_scoped3A : memref<!tpu.dma_semaphore, #tpu.memory_space<semaphore_mem>>)
      %dma_wait3A_139 = tpu.memref_slice %arg7[%multiple_of3A] : memref<16384xi32, #tpu.memory_space<hbm>> -> memref<512xi32, #tpu.memory_space<hbm>>
      %dma_wait3A_140 = tpu.memref_slice %arg7[%multiple_of3A] : memref<16384xi32, #tpu.memory_space<hbm>> -> memref<512xi32, #tpu.memory_space<hbm>>
      tpu.wait_dma2 semaphore(%run_scoped3A : memref<!tpu.dma_semaphore, #tpu.memory_space<semaphore_mem>>) src(%arg10 : memref<512xi32, #tpu.memory_space<vmem>>) dst(%dma_wait3A_140 : memref<512xi32, #tpu.memory_space<hbm>>)
      tpu.yield
    }) : () -> ()
    return
  }
}

module attributes {stable_mosaic.version = 14 : i64} {
  func.func @_pad128_body(%arg0: i32, %arg1: memref<64x4096xf32, #tpu.memory_space<vmem>>, %arg2: memref<4096x128xf32, #tpu.memory_space<vmem>>) attributes {dimension_semantics = [#tpu.dimension_semantics<arbitrary>], iteration_bounds = array<i64: 123>, scalar_prefetch = 0 : i64, scratch_operands = 0 : i64, tpu.core_type = #tpu.core_type<tc>, window_params = [{transform_indices = @transform_0, window_bounds = array<i64: 64, 4096>}, {transform_indices = @transform_1, window_bounds = array<i64: 4096, 128>}]} {
    %get3A = arith.constant 0 : index
    %get3A_0 = arith.constant 0 : index
    %get3A_1 = vector.load %arg1[%get3A, %get3A_0] : memref<64x4096xf32, #tpu.memory_space<vmem>>, vector<64x4096xf32>
    %transpose3A = tpu.transpose %get3A_1, [1, 0] : vector<64x4096xf32> -> vector<4096x64xf32>
    %concatenate3A = tpu.concatenate %transpose3A, %transpose3A in 1 : vector<4096x64xf32>, vector<4096x64xf32> -> vector<4096x128xf32>
    %swap3A = arith.constant 0 : index
    %swap3A_2 = arith.constant 0 : index
    %swap3A_3 = vector.load %arg2[%swap3A, %swap3A_2] : memref<4096x128xf32, #tpu.memory_space<vmem>>, vector<4096x128xf32>
    tpu.vector_store %arg2[%swap3A, %swap3A_2], %concatenate3A {strides = array<i32>} : memref<4096x128xf32, #tpu.memory_space<vmem>>, vector<4096x128xf32>,
    return
  }
  func.func @transform_0(%arg0: i32) -> (i32, i32) {
    %c0_i32 = arith.constant 0 : i32
    %c0_i32_0 = arith.constant 0 : i32
    return %c0_i32, %arg0 : i32, i32
  }
  func.func @transform_1(%arg0: i32) -> (i32, i32) {
    %c0_i32 = arith.constant 0 : i32
    %c0_i32_0 = arith.constant 0 : i32
    return %arg0, %c0_i32 : i32, i32
  }
}

module attributes {stable_mosaic.version = 14 : i64} {
  func.func @_pad128_body(%arg0: i32, %arg1: memref<64x4096xf32, #tpu.memory_space<vmem>>, %arg2: memref<4096x128xf32, #tpu.memory_space<vmem>>) attributes {dimension_semantics = [#tpu.dimension_semantics<arbitrary>], iteration_bounds = array<i64: 4>, scalar_prefetch = 0 : i64, scratch_operands = 0 : i64, tpu.core_type = #tpu.core_type<tc>, window_params = [{transform_indices = @transform_0, window_bounds = array<i64: 64, 4096>}, {transform_indices = @transform_1, window_bounds = array<i64: 4096, 128>}]} {
    %get3A = arith.constant 0 : index
    %get3A_0 = arith.constant 0 : index
    %get3A_1 = vector.load %arg1[%get3A, %get3A_0] : memref<64x4096xf32, #tpu.memory_space<vmem>>, vector<64x4096xf32>
    %transpose3A = tpu.transpose %get3A_1, [1, 0] : vector<64x4096xf32> -> vector<4096x64xf32>
    %concatenate3A = tpu.concatenate %transpose3A, %transpose3A in 1 : vector<4096x64xf32>, vector<4096x64xf32> -> vector<4096x128xf32>
    %swap3A = arith.constant 0 : index
    %swap3A_2 = arith.constant 0 : index
    %swap3A_3 = vector.load %arg2[%swap3A, %swap3A_2] : memref<4096x128xf32, #tpu.memory_space<vmem>>, vector<4096x128xf32>
    tpu.vector_store %arg2[%swap3A, %swap3A_2], %concatenate3A {strides = array<i32>} : memref<4096x128xf32, #tpu.memory_space<vmem>>, vector<4096x128xf32>,
    return
  }
  func.func @transform_0(%arg0: i32) -> (i32, i32) {
    %c0_i32 = arith.constant 0 : i32
    %c0_i32_0 = arith.constant 0 : i32
    return %c0_i32, %arg0 : i32, i32
  }
  func.func @transform_1(%arg0: i32) -> (i32, i32) {
    %c0_i32 = arith.constant 0 : i32
    %c0_i32_0 = arith.constant 0 : i32
    return %arg0, %c0_i32 : i32, i32
  }
}

module attributes {stable_mosaic.version = 14 : i64} {
  func.func @_unpad_body(%arg0: i32, %arg1: memref<4096x128xf32, #tpu.memory_space<vmem>>, %arg2: memref<64x4096xf32, #tpu.memory_space<vmem>>) attributes {dimension_semantics = [#tpu.dimension_semantics<arbitrary>], iteration_bounds = array<i64: 123>, scalar_prefetch = 0 : i64, scratch_operands = 0 : i64, tpu.core_type = #tpu.core_type<tc>, window_params = [{transform_indices = @transform_0, window_bounds = array<i64: 4096, 128>}, {transform_indices = @transform_1, window_bounds = array<i64: 64, 4096>}]} {
    %get3A = arith.constant 0 : index
    %get3A_0 = arith.constant 0 : index
    %get3A_1 = vector.load %arg1[%get3A, %get3A_0] : memref<4096x128xf32, #tpu.memory_space<vmem>>, vector<4096x64xf32>
    %transpose3A = tpu.transpose %get3A_1, [1, 0] : vector<4096x64xf32> -> vector<64x4096xf32>
    %swap3A = arith.constant 0 : index
    %swap3A_2 = arith.constant 0 : index
    %swap3A_3 = vector.load %arg2[%swap3A, %swap3A_2] : memref<64x4096xf32, #tpu.memory_space<vmem>>, vector<64x4096xf32>
    tpu.vector_store %arg2[%swap3A, %swap3A_2], %transpose3A {strides = array<i32>} : memref<64x4096xf32, #tpu.memory_space<vmem>>, vector<64x4096xf32>,
    return
  }
  func.func @transform_0(%arg0: i32) -> (i32, i32) {
    %c0_i32 = arith.constant 0 : i32
    %c0_i32_0 = arith.constant 0 : i32
    return %arg0, %c0_i32 : i32, i32
  }
  func.func @transform_1(%arg0: i32) -> (i32, i32) {
    %c0_i32 = arith.constant 0 : i32
    %c0_i32_0 = arith.constant 0 : i32
    return %c0_i32, %arg0 : i32, i32
  }
}

</mosaic_0001>

<sc_bundles>
// kernel: kernel.11.cloned.1.call-start
scs
__scs_entry_jumppad:
0x0: {  	(pc) =	sbr.rel $0x88, $3  }
0x1: {  	(tag) =	ssettag $0x0;
	lr =	simm.s32 $0x1  }
0x2: {  	[smem:$0x3F9C] =	sst lr;
	_ =	strace $0xD0000000  }
0x3: {  	_ = 	snop  }
0x4: {  	_ = 	snop  }
0x5: {  	_ = 	snop  }
0x6: {  	_ = 	snop  }
0x7: {  	_ = 	snop  }
__scs_overlays_trampoline_lowered:
0x8: {  	[smem:$0x3FAB] =	sst s0  }
0x9: {  	[smem:$0x3FAC] =	sst s1  }
0xa: {  	[smem:$0x3FAD] =	sst s2  }
0xb: {  	[smem:$0x3FAE] =	sst s3  }
0xc: {  	[smem:$0x3FAF] =	sst s4  }
0xd: {  	[smem:$0x3FB0] =	sst s5  }
0xe: {  	[smem:$0x3FB1] =	sst s6  }
0xf: {  	[smem:$0x3FB2] =	sst s7  }
0x10: {  	[smem:$0x3FB3] =	sst s8  }
0x11: {  	[smem:$0x3FB4] =	sst s9;
	s0 =	simm.s32 @!p0 $0x0  }
0x12: {  	s1 =	sld [smem:$0x3F9A];
	s0 =	simm.s32 @p0 $0x1  }
0x13: {  	[smem:$0x3FB5] =	sst s0;
	s0 =	simm.s32 @!p1 $0x0  }
0x14: {  	s2 =	sld [smem:$0x3F99];
	s0 =	simm.s32 @p1 $0x1  }
0x15: {  	[smem:$0x3FB6] =	sst s0;
	s0 =	simm.s32 @!p2 $0x0  }
0x16: {  	s3 =	sld [smem:$0x3FDB];
	s0 =	simm.s32 @p2 $0x1  }
0x17: {  	s4 =	simm.s32 $0x1BF5;
	[smem:$0x3FB8] =	sst s0  }
0x18: {  	s0 =	sld [smem:$0x3F9B];
	_ =	swait.ge [sflag:s4], $0x0  }
0x19: {  	s7 =	sld [smem:$0x3F9C]  }
0x1a: {  	s8 =	sadd.s32 $0xFFFFE003, lr  }
0x1b: {  	s9 =	sadd.s32 $0xFFFFFEF7, lr;
	s5 =	simm.s32 $0xFFFFFFFF;
	p2 =	slt.u32 s8, $0xFFFFF086  }
0x1c: {  	p1 =	slt.u32 s9, $0xF7A;
	s5 =	simm.s32 @!p2 $0x0  }
0x1d: {  	s5 =	simm.s32 @p1 $0x1;
	p0 =	seq.s32 s7, s2  }
0x1e: {  	s7 =	smul.u32 @!p0 $0xF7A, s2;
	p2 =	seq.s32 @!p0 s5, $0x0  }
0x1f: {  	s9 =	smul.u32 $0xF7A, s1;
	s8 =	simm.s32 @!p0 $0x1BF5;
	p2 =	por !p2, p0  }
0x20: {  	[sflag:s8] =	ssyncset.s32 @!p0 $0xFFFFF086;
	s6 =	sadd.s32 @!p0 s3, s7;
	s7 =	simm.s32 @!p0 $0x108  }
0x21: {  	s3 =	sadd.s32 s3, s9;
	s6 =	sadd.s32 @!p0 $0x88, s6;
	s7 =	simm.s32 @p2 $0x1082  }
0x22: {  	[simem:s7], [sflag:s8] =	dma.local @!p0 [hbm:s6], $0xF7A  }
0x23: {  	s9 =	sor.u32 $0xD0000000, s2;
	s6 =	simm.s32 $0x108;
	_ =	swait.ge @!p0 [sflag:s8], $0x0  }
0x24: {  	s3 =	sadd.s32 $0x88, s3;
	s6 =	simm.s32 @!p1 $0x1082;
	[sflag:s4] =	ssyncset.s32 $0xFFFFF086  }
0x25: {  	[simem:s6], [sflag:s4] =	dma.local [hbm:s3], $0xF7A  }
0x26: {  	[smem:$0x3F9C] =	sst s1;
	(tag) =	ssettag s2;
	_ =	strace s9  }
0x27: {  	s1 =	sld [smem:$0x3FAC]  }
0x28: {  	s2 =	sld [smem:$0x3FAD]  }
0x29: {  	s4 =	sld [smem:$0x3FAF]  }
0x2a: {  	p0 =	seq.s32 s5, $0x0;
	s5 =	sld [smem:$0x3FB0]  }
0x2b: {  	s6 =	sld [smem:$0x3FB1]  }
0x2c: {  	s7 =	sld [smem:$0x3FB2]  }
0x2d: {  	s3 =	simm.s32 $0x108;
	s8 =	sld [smem:$0x3FB3]  }
0x2e: {  	s3 =	simm.s32 @!p0 $0x1082;
	s9 =	sld [smem:$0x3FB4]  }
0x2f: {  	lr =	sadd.s32 s0, s3;
	s0 =	sld [smem:$0x3FAB]  }
0x30: {  	s3 =	sld [smem:$0x3FAE]  }
0x31: {  	[smem:$0x3FB7] =	sst s10  }
0x32: {  	s10 =	sld [smem:$0x3FB5];
	_ =	sdelay $0x3  }
0x33: {  	p0 =	seq.s32 s10, $0x1;
	s10 =	sld [smem:$0x3FB7];
	_ =	sdelay $0x3  }
0x34: {  	[smem:$0x3FB7] =	sst s10  }
0x35: {  	s10 =	sld [smem:$0x3FB6];
	_ =	sdelay $0x3  }
0x36: {  	p1 =	seq.s32 s10, $0x1;
	s10 =	sld [smem:$0x3FB7];
	_ =	sdelay $0x3  }
0x37: {  	[smem:$0x3FB7] =	sst s10  }
0x38: {  	s10 =	sld [smem:$0x3FB8]  }
0x39: {  	_ = 	snop;
	(pc) =	sbr.ind lr, $3  }
0x3a: {  	_ = 	snop  }
0x3b: {  	_ = 	snop  }
0x3c: {  	p2 =	seq.s32 s10, $0x1;
	s10 =	sld [smem:$0x3FB7]  }
0x3d: {  	_ =	shalt  }
0x3e: {  	_ =	shalt  }
0x3f: {  	_ =	shalt  }
0x40: {  	_ =	shalt  }
0x41: {  	_ =	shalt  }
0x42: {  	_ =	shalt  }
0x43: {  	_ =	shalt  }
0x44: {  	_ =	shalt  }
0x45: {  	_ =	shalt  }
0x46: {  	_ =	shalt  }
0x47: {  	_ =	shalt  }
0x48: {  	_ =	shalt  }
0x49: {  	_ =	shalt  }
0x4a: {  	_ =	shalt  }
0x4b: {  	_ =	shalt  }
0x4c: {  	_ =	shalt  }
0x4d: {  	_ =	shalt  }
0x4e: {  	_ =	shalt  }
0x4f: {  	_ =	shalt  }
0x50: {  	_ =	shalt  }
0x51: {  	_ =	shalt  }
0x52: {  	_ =	shalt  }
0x53: {  	_ =	shalt  }
0x54: {  	_ =	shalt  }
0x55: {  	_ =	shalt  }
0x56: {  	_ =	shalt  }
0x57: {  	_ =	shalt  }
0x58: {  	_ =	shalt  }
0x59: {  	_ =	shalt  }
0x5a: {  	_ =	shalt  }
0x5b: {  	_ =	shalt  }
0x5c: {  	_ =	shalt  }
0x5d: {  	_ =	shalt  }
0x5e: {  	_ =	shalt  }
0x5f: {  	_ =	shalt  }
0x60: {  	_ =	shalt  }
0x61: {  	_ =	shalt  }
0x62: {  	_ =	shalt  }
0x63: {  	_ =	shalt  }
0x64: {  	_ =	shalt  }
0x65: {  	_ =	shalt  }
0x66: {  	_ =	shalt  }
0x67: {  	_ =	shalt  }
0x68: {  	_ =	shalt  }
0x69: {  	_ =	shalt  }
0x6a: {  	_ =	shalt  }
0x6b: {  	_ =	shalt  }
0x6c: {  	_ =	shalt  }
0x6d: {  	_ =	shalt  }
0x6e: {  	_ =	shalt  }
0x6f: {  	_ =	shalt  }
0x70: {  	_ =	shalt  }
0x71: {  	_ =	shalt  }
0x72: {  	_ =	shalt  }
0x73: {  	_ =	shalt  }
0x74: {  	_ =	shalt  }
0x75: {  	_ =	shalt  }
0x76: {  	_ =	shalt  }
0x77: {  	_ =	shalt  }
0x78: {  	_ =	shalt  }
0x79: {  	_ =	shalt  }
0x7a: {  	_ =	shalt  }
0x7b: {  	_ =	shalt  }
0x7c: {  	_ =	shalt  }
0x7d: {  	_ =	shalt  }
0x7e: {  	_ =	shalt  }
0x7f: {  	_ =	shalt  }
0x80: {  	_ =	shalt  }
0x81: {  	_ =	shalt  }
0x82: {  	_ =	shalt  }
0x83: {  	_ =	shalt  }
0x84: {  	_ =	shalt  }
0x85: {  	_ =	shalt  }
0x86: {  	_ =	shalt  }
0x87: {  	_ =	shalt  }
.Lfunc_end0:
.L_simem_size_0:
called_computation.1_lowered:
.L_overlay_start_0:
0x88: {  	s2 =	sld [smem:$0x3FD9]  }
0x89: {  	s3 =	sld [smem:$0x3FFE];
	_ =	sdelay $0x1  }
0x8a: {  	s1 =	srdreg.scid  }
0x8b: {  	s0 =	sand.u32 $0x1, s1  }
0x8c: {  	s15 =	sshll.u32 s0, $0xA;
	s2 =	sadd.s32 s3, s2  }
0x8d: {  	s2 =	sadd.s32 s2, s15  }
0x8e: {  	[smem:$0x3FC3] =	sst s2  }
0x8f: {  	_ = 	snop  }
0x90: {  	s16 =	sld [smem:$0x3FD0];
	_ =	sdelay $0x2  }
0x91: {  	s4 =	simm.s32 $0xB;
	s5 =	simm.s32 $0x10;
	s2 =	sld [smem:$0x3FC8]  }
0x92: {  	[smem:s5], [sflag:s4] =	dma.local [hbm:s16], $0x1  }
0x93: {  	_ =	swait.eq [sflag:s4], $0x1  }
0x94: {  	[sflag:s4] =	ssyncset.done $0x0  }
0x95: {  	[sflag:s4] =	ssyncadd.s32 $0xFFFFFFFF  }
0x96: {  	s17 =	sld [smem:$0x12];
	(tm) =	ssettm $0x1  }
0x97: {  	s18 =	sld [smem:$0x3FFB];
	_ =	sdelay $0x3  }
0x98: {  	_ =	strace s18  }
0x99: {  	s3 =	sld [smem:$0x3FFC];
	_ =	sdelay $0x3  }
0x9a: {  	_ =	strace s3  }
0x9b: {  	s3 =	sld [smem:$0x3FFD];
	_ =	sdelay $0x3  }
0x9c: {  	_ =	strace s3  }
0x9d: {  	_ =	strace $0x8FFFFFFF  }
0x9e: {  	s19 =	sld [smem:$0x3FDB];
	_ =	sdelay $0x1  }
0x9f: {  	s20 =	simm.s32 $_scs_section_size  }
0xa0: {  	s6 =	simm.s32 $_size__tile_overlayer_lowered;
	s7 =	simm.s32 $_tile_overlayer_lowered  }
0xa1: {  	s8 =	simm.s32 $0x1BFF;
	s21 =	sshll.u32 s7, $0x1;
	s5 =	sadd.s32 s20, s19  }
0xa2: {  	s22 =	simm.s32 $0x0;
	s6 =	sshll.u32 s6, $0x1;
	s7 =	sadd.s32 s21, s5  }
0xa3: {  	[timem:s22], [sflag:s8] =	dma.local [hbm:s7], s6  }
0xa4: {  	_ =	swait.ge [sflag:s8], s6  }
0xa5: {  	s6 =	ssub.s32 $0x0, s6;
	[sflag:s8] =	ssyncset.done $0x0  }
0xa6: {  	[sflag:s8] =	ssyncadd.s32 s6;
	_ =	sdelay $0x1  }
0xa7: {  	s23 =	simm.s32 $0x1B8B  }
0xa8: {  	_ =	swait.ge [sflag:s23], $0x1  }
0xa9: {  	[sflag:s23] =	ssyncset.done $0x0  }
0xaa: {  	[sflag:s23] =	ssyncadd.s32 $0xFFFFFFFF  }
0xab: {  	s6 =	sld [smem:$0x0]  }
0xac: {  	s7 =	sand.u32 $0xFFFFFFFE, s1  }
0xad: {  	p0 =	sne.s32 s1, s7  }
0xae: {  	s7 =	sshll.u32 @p0 s7, $0xE  }
0xaf: {  	s7 =	sadd.s32 @p0 $0x11B8D, s7;
	s8 =	sshll.u32 @p0 s6, $0x11  }
0xb0: {  	s7 =	sor.u32 @p0 s8, s7  }
0xb1: {  	[sflag:s7] =	ssyncadd.remote.s32 @p0 $0x1;
	_ =	sdelay $0x1  }
0xb2: {  	s7 =	simm.s32 @p0 $0x1B8D  }
0xb3: {  	_ =	swait.eq @p0 [sflag:s7], $0x1  }
0xb4: {  	[sflag:s7] =	ssyncadd.s32 @p0 $0xFFFFFFFF  }
0xb5: {  	s8 =	sshll.u32 @!p0 s1, $0xE  }
0xb6: {  	s8 =	sor.u32 @!p0 $0x4000, s8;
	s7 =	simm.s32 @!p0 $0x1B8D  }
0xb7: {  	s6 =	sshll.u32 @!p0 s6, $0x11;
	s8 =	sadd.s32 @!p0 $0x11B8D, s8;
	_ =	swait.eq @!p0 [sflag:s7], $0x1  }
0xb8: {  	s6 =	sor.u32 @!p0 s6, s8;
	[sflag:s7] =	ssyncadd.s32 @!p0 $0xFFFFFFFF  }
0xb9: {  	s25 =	simm.s32 $0x1B8E;
	s24 =	sld [smem:$0x3FFE];
	[sflag:s6] =	ssyncadd.remote.s32 @!p0 $0x1  }
0xba: {  	s26 =	simm.s32 $execute0_lowered;
	[smem:$0x3FD2] =	sst s25  }
0xbb: {  	s7 =	sshll.u32 s26, $0x1;
	_ =	strace $0x8000004C;
	[dreg:$0x1] =	wrdreg $0xFFFFFFFF  }
0xbc: {  	s28 =	simm.s32 $_size_execute0_lowered;
	s5 =	sadd.s32 s5, s7;
	[dreg:$0x0] =	wrdreg $0x0  }
0xbd: {  	s7 =	sshll.u32 s28, $0x1;
	[dreg:$0x2] =	wrdreg s5  }
0xbe: {  	[dreg:$0x3] =	wrdreg s7  }
0xbf: {  	[dreg:$0x4] =	wrdreg $0xC0  }
0xc0: {  	_ =	task [dreg:s22], $0x5FFFF  }
0xc1: {  	[dreg:$0x1] =	wrdreg $0xFFFFFFFF  }
0xc2: {  	[dreg:$0x0] =	wrdreg $0x60  }
0xc3: {  	[dreg:$0x2] =	wrdreg s24  }
0xc4: {  	[dreg:$0x3] =	wrdreg s2  }
0xc5: {  	[dreg:$0x4] =	wrdreg s17  }
0xc6: {  	[dreg:$0x5] =	wrdreg $0x9  }
0xc7: {  	_ =	task.clear_ibuf [dreg:s22], $0x6FFFF;
	_ =	strace $0x9000004C  }
0xc8: {  	s29 =	simm.s32 $0x9;
	_ =	strace $0x8000004E  }
0xc9: {  	_ =	swait.ge [sflag:s29], $0x1  }
0xca: {  	[sflag:s29] =	ssyncadd.s32 $0xFFFFFFFF  }
0xcb: {  	_ =	strace $0x9000004E  }
0xcc: {  	_ =	sfence  }
0xcd: {  	s30 =	sld [smem:$0x0];
	_ =	sdelay $0x2  }
0xce: {  	s31 =	sshll.u32 s1, $0xD;
	s1 =	sshrl.u32 s1, $0x2  }
0xcf: {  	s4 =	sand.u32 $0x4000, s31;
	s1 =	sadd.s32 s1, s30  }
0xd0: {  	s0 =	sor.u32 s4, s0;
	s1 =	sshll.u32 s1, $0x11  }
0xd1: {  	s0 =	sor.u32 s1, s0  }
0xd2: {  	s0 =	sadd.s32 $0x8F2B, s0  }
0xd3: {  	[sflag:s0] =	ssyncadd.remote.s32 $0x1  }
0xd4: {  	_ =	sfence.sel $0xFFFF  }
0xd5: {  	[dreg:$0x0] =	wrdreg $0xFFFFFFFF;
	(pc) =	sbr.abs _section_cstart, $3  }
0xd6: {  	[dreg:$0x1] =	wrdreg $0xFFFFFFFF  }
0xd7: {  	_ =	task.clear_ibuf [dreg:s22], $0x2FFFF;
	_ =	strace $0x9FFFFFFF  }
0xd8: {  	(tm) =	ssettm $0x7FFFFFFF  }
0xd9: {  	_ =	shalt  }
tec
execute0_lowered:
.L_overlay_start_1:
0x0: {  	(tag) =	ssettag $0x1  }
0x1: {  	s1 =	srdreg.scid  }
0x2: {  	s0 =	stileid.u32;
	s5 =	rddreg [dreg:$0x0]  }
0x3: {  	s2 =	rddreg [dreg:$0x1];
	s6 =	sand.u32 $0x1, s1;
	s30 =	sshll.u32 s0, $0x1  }
0x4: {  	s3 =	rddreg [dreg:$0x2];
	s4 =	simm.s32 $0x0;
	s1 =	sor.u32 s6, s30  }
0x5: {  	[smem:$0x7FF] =	sst s4;
	s9 =	smul.u32 $0x7A40, s1  }
0x6: {  	s11 =	simm.s32 $0x0;
	s6 =	ssub.s32 $0x2, s6;
	s1 =	rddreg [dreg:$0x3]  }
0x7: {  	_ =	strace $0x8000004D;
	s31 =	sshrl.u32 s6, $0x1;
	s7 =	sshrl.u32 s9, $0x3  }
0x8: {  	s8 =	ssub.s32 s6, s31;
	s10 =	sadd.s32 $0x7A40, s9;
	s7 =	sadd.s32 s7, s5  }
0x9: {  	v0 =	vmov s9;
	s9 =	simm.s32 $0x7A80;
	v1 =	vmov s10;
	s10 =	simm.s32 $0xBA80;
	s5 =	sadd.s32 $0x7A2E00, s7  }
0xa: {  	v2 =	vimm.s32 $0x1;
	s6 =	sadd.s32 $0x841800, s7;
	s7 =	smax.u32 s8, $0x1;
	s8 =	simm.s32 $0x1  }
.LBB2_1:
0xb: {  	[tilespmem:s4], [sflag:$0x1] =	stream.linear.gather [hbm4b:s5+s4], $0x7A40, $0x38;
	[tilespmem:$0xFA80] =	vst v63  }
0xc: {  	_ =	swait.ge [sflag:s8], $0x7A40  }
0xd: {  	[sflag:s8] =	ssyncset.done $0x0  }
0xe: {  	[sflag:s8] =	ssyncadd.s32 $0xFFFF85C0  }
0xf: {  	[tilespmem:s9], [sflag:$0x1] =	stream.linear.gather [hbm4b:s2+s4], $0x4000, $0x38;
	[tilespmem:$0xFA80] =	vst v63  }
0x10: {  	_ =	swait.ge [sflag:s8], $0x4000  }
0x11: {  	[sflag:s8] =	ssyncset.done $0x0  }
0x12: {  	[sflag:s8] =	ssyncadd.s32 $0xFFFFC000  }
0x13: {  	[tilespmem:s10], [sflag:$0x1] =	stream.linear.gather [hbm4b:s3+s4], $0x4000, $0x38;
	[tilespmem:$0xFA80] =	vst v63  }
0x14: {  	_ =	swait.ge [sflag:s8], $0x4000  }
0x15: {  	[sflag:s8] =	ssyncset.done $0x0  }
0x16: {  	s12 =	simm.s32 $0x0;
	s13 =	simm.s32 $0x40;
	[sflag:s8] =	ssyncadd.s32 $0xFFFFC000  }
.LBB2_2:
0x17: {  	p0 =	sne.s32 s13, $0x1E8C0;
	v3 =	vld [tilespmem:s12+$0x0];
	_ =	sdelay $0x1  }
.Ltmp0:
0x18: {  	(pc) =	sbr.rel @p0 .LBB2_2-.Ltmp0, $3  }
0x19: {  	_ =	sdelay $0x1  }
0x1a: {  	v3 =	vand.u32 $0x1, v3  }
0x1b: {  	[tilespmem:s12+$0x0] =	vst v3;
	s12 =	sshra.s32 s13, $0x2;
	s13 =	sadd.s32 $0x40, s13  }
0x1c: {  	v3 =	vld [tilespmem:s12+$0x0];
	_ =	sdelay $0x4  }
0x1d: {  	v3 =	vand.u32 $0x1, v3  }
0x1e: {  	s13 =	simm.s32 $0x0;
	[tilespmem:s12+$0x0] =	vst v3  }
0x1f: {  	s12 =	simm.s32 $0x40;
	v3 =	vld [tilespmem:s13+$0xBA80]  }
.LBB2_4:
0x20: {  	p0 =	sne.s32 s12, $0xFFC0;
	v4 =	vld [tilespmem:s13+$0x7A80];
	_ =	sdelay $0x4  }
0x21: {  	vm0 =	vne.s32 v3, $0xFFFFFFFF;
	vm1 =	vge.s32 v4, v0  }
0x22: {  	vm0 =	vmand vm1, vm0;
	vm1 =	vlt.s32 v4, v1  }
0x23: {  	v3 =	vsub.s32 v4, v0;
	vm0 =	vmand vm1, vm0  }
0x24: {  	v3 =	vnsel vm0, $0x0, v3;
	_ =	sdelay $0x1  }
.Ltmp1:
0x25: {  	(pc) =	sbr.rel @p0 .LBB2_4-.Ltmp1, $3  }
0x26: {  	_ =	sdelay $0x1  }
0x27: {  	s13 =	sshra.s32 s12, $0x2;
	[tilespmem:v3+s4+$0x0] =	vst.idx.msk vm0, v2  }
0x28: {  	s12 =	sadd.s32 $0x40, s12;
	v3 =	vld [tilespmem:s13+$0xBA80]  }
0x29: {  	v4 =	vld [tilespmem:s13+$0x7A80];
	_ =	sdelay $0x4  }
0x2a: {  	vm0 =	vne.s32 v3, $0xFFFFFFFF;
	vm1 =	vge.s32 v4, v0  }
0x2b: {  	vm15 =	vlt.s32 v4, v1;
	vm0 =	vmand vm1, vm0  }
0x2c: {  	v3 =	vsub.s32 v4, v0;
	vm0 =	vmand vm15, vm0  }
0x2d: {  	v3 =	vnsel vm0, $0x0, v3;
	_ =	sdelay $0x2  }
0x2e: {  	s11 =	sadd.s32 $0x1, s11  }
0x2f: {  	p0 =	sne.s32 s11, s7  }
.Ltmp2:
0x30: {  	[tilespmem:v3+s4+$0x0] =	vst.idx.msk vm0, v2;
	(pc) =	sbr.rel @p0 .LBB2_1-.Ltmp2, $4  }
0x31: {  	[hbm4b:s6+s4] =	stream.linear.scatter [tilespmem:s4], [sflag:$0x1], $0x7A40, $0x38;
	[tilespmem:$0xFA80] =	vst v63  }
0x32: {  	_ =	swait.ge [sflag:s8], $0x7A40  }
0x33: {  	[sflag:s8] =	ssyncset.done $0x0  }
0x34: {  	[sflag:s8] =	ssyncadd.s32 $0xFFFF85C0  }
0x35: {  	_ =	sfence.sel $0x180000  }
0x36: {  	[bflag:$0x0] =	sbarrier.arrive $0xFFFF  }
0x37: {  	p0 =	sne.s32 s0, $0x0;
	_ =	strace $0x9000004D  }
0x38: {  	s0 =	sadd.s32 @!p0 $0x100000, s1;
	[bflag:$0x2] =	sbarrier.arrive $0xFFFF  }
0x39: {  	[sflag:s0] =	ssyncadd.tile.s32 @!p0 $0x1;
	_ =	shalt  }
.Lfunc_end2:
_tile_overlayer_lowered:
.L_overlay_start_2:
0x3a: {  	(tag) =	ssettag $0x2  }
0x3b: {  	s0 =	rddreg [dreg:$0x0];
	s2 =	stileid.u32  }
0x3c: {  	s1 =	rddreg [dreg:$0x1];
	p0 =	sne.s32 s2, $0x0  }
0x3d: {  	s3 =	rddreg [dreg:$0x2];
	[bflag:$0x3] =	sbarrier.arrive $0xFFFF;
	s2 =	simm.s32 @!p0 $0x1C01  }
0x3e: {  	[timem:s3], [sflag:s2] =	dma.local @!p0 [hbm:s0], s1  }
0x3f: {  	s0 =	simm.s32 @!p0 $0x1  }
0x40: {  	_ =	swait.ge @!p0 [sflag:s0], s1  }
0x41: {  	s1 =	ssub.s32 @!p0 $0x0, s1;
	[sflag:s0] =	ssyncset.done @!p0 $0x0  }
0x42: {  	[sflag:s0] =	ssyncadd.s32 @!p0 s1  }
0x43: {  	[bflag:$0x3] =	sbarrier.arrive $0xFFFF  }
0x44: {  	_ =	shalt  }

// kernel: kernel.14.cloned.1.call-start
scs
__scs_entry_jumppad:
0x0: {  	(pc) =	sbr.rel $0x88, $3  }
0x1: {  	(tag) =	ssettag $0x0;
	lr =	simm.s32 $0x1  }
0x2: {  	[smem:$0x3F9C] =	sst lr;
	_ =	strace $0xD0000000  }
0x3: {  	_ = 	snop  }
0x4: {  	_ = 	snop  }
0x5: {  	_ = 	snop  }
0x6: {  	_ = 	snop  }
0x7: {  	_ = 	snop  }
__scs_overlays_trampoline_lowered:
0x8: {  	[smem:$0x3FAB] =	sst s0  }
0x9: {  	[smem:$0x3FAC] =	sst s1  }
0xa: {  	[smem:$0x3FAD] =	sst s2  }
0xb: {  	[smem:$0x3FAE] =	sst s3  }
0xc: {  	[smem:$0x3FAF] =	sst s4  }
0xd: {  	[smem:$0x3FB0] =	sst s5  }
0xe: {  	[smem:$0x3FB1] =	sst s6  }
0xf: {  	[smem:$0x3FB2] =	sst s7  }
0x10: {  	[smem:$0x3FB3] =	sst s8  }
0x11: {  	[smem:$0x3FB4] =	sst s9;
	s0 =	simm.s32 @!p0 $0x0  }
0x12: {  	s1 =	sld [smem:$0x3F9A];
	s0 =	simm.s32 @p0 $0x1  }
0x13: {  	[smem:$0x3FB5] =	sst s0;
	s0 =	simm.s32 @!p1 $0x0  }
0x14: {  	s2 =	sld [smem:$0x3F99];
	s0 =	simm.s32 @p1 $0x1  }
0x15: {  	[smem:$0x3FB6] =	sst s0;
	s0 =	simm.s32 @!p2 $0x0  }
0x16: {  	s3 =	sld [smem:$0x3FDB];
	s0 =	simm.s32 @p2 $0x1  }
0x17: {  	s4 =	simm.s32 $0x1BF5;
	[smem:$0x3FB8] =	sst s0  }
0x18: {  	s0 =	sld [smem:$0x3F9B];
	_ =	swait.ge [sflag:s4], $0x0  }
0x19: {  	s7 =	sld [smem:$0x3F9C]  }
0x1a: {  	s8 =	sadd.s32 $0xFFFFE003, lr  }
0x1b: {  	s9 =	sadd.s32 $0xFFFFFEF7, lr;
	s5 =	simm.s32 $0xFFFFFFFF;
	p2 =	slt.u32 s8, $0xFFFFF086  }
0x1c: {  	p1 =	slt.u32 s9, $0xF7A;
	s5 =	simm.s32 @!p2 $0x0  }
0x1d: {  	s5 =	simm.s32 @p1 $0x1;
	p0 =	seq.s32 s7, s2  }
0x1e: {  	s7 =	smul.u32 @!p0 $0xF7A, s2;
	p2 =	seq.s32 @!p0 s5, $0x0  }
0x1f: {  	s9 =	smul.u32 $0xF7A, s1;
	s8 =	simm.s32 @!p0 $0x1BF5;
	p2 =	por !p2, p0  }
0x20: {  	[sflag:s8] =	ssyncset.s32 @!p0 $0xFFFFF086;
	s6 =	sadd.s32 @!p0 s3, s7;
	s7 =	simm.s32 @!p0 $0x108  }
0x21: {  	s3 =	sadd.s32 s3, s9;
	s6 =	sadd.s32 @!p0 $0x88, s6;
	s7 =	simm.s32 @p2 $0x1082  }
0x22: {  	[simem:s7], [sflag:s8] =	dma.local @!p0 [hbm:s6], $0xF7A  }
0x23: {  	s9 =	sor.u32 $0xD0000000, s2;
	s6 =	simm.s32 $0x108;
	_ =	swait.ge @!p0 [sflag:s8], $0x0  }
0x24: {  	s3 =	sadd.s32 $0x88, s3;
	s6 =	simm.s32 @!p1 $0x1082;
	[sflag:s4] =	ssyncset.s32 $0xFFFFF086  }
0x25: {  	[simem:s6], [sflag:s4] =	dma.local [hbm:s3], $0xF7A  }
0x26: {  	[smem:$0x3F9C] =	sst s1;
	(tag) =	ssettag s2;
	_ =	strace s9  }
0x27: {  	s1 =	sld [smem:$0x3FAC]  }
0x28: {  	s2 =	sld [smem:$0x3FAD]  }
0x29: {  	s4 =	sld [smem:$0x3FAF]  }
0x2a: {  	p0 =	seq.s32 s5, $0x0;
	s5 =	sld [smem:$0x3FB0]  }
0x2b: {  	s6 =	sld [smem:$0x3FB1]  }
0x2c: {  	s7 =	sld [smem:$0x3FB2]  }
0x2d: {  	s3 =	simm.s32 $0x108;
	s8 =	sld [smem:$0x3FB3]  }
0x2e: {  	s3 =	simm.s32 @!p0 $0x1082;
	s9 =	sld [smem:$0x3FB4]  }
0x2f: {  	lr =	sadd.s32 s0, s3;
	s0 =	sld [smem:$0x3FAB]  }
0x30: {  	s3 =	sld [smem:$0x3FAE]  }
0x31: {  	[smem:$0x3FB7] =	sst s10  }
0x32: {  	s10 =	sld [smem:$0x3FB5];
	_ =	sdelay $0x3  }
0x33: {  	p0 =	seq.s32 s10, $0x1;
	s10 =	sld [smem:$0x3FB7];
	_ =	sdelay $0x3  }
0x34: {  	[smem:$0x3FB7] =	sst s10  }
0x35: {  	s10 =	sld [smem:$0x3FB6];
	_ =	sdelay $0x3  }
0x36: {  	p1 =	seq.s32 s10, $0x1;
	s10 =	sld [smem:$0x3FB7];
	_ =	sdelay $0x3  }
0x37: {  	[smem:$0x3FB7] =	sst s10  }
0x38: {  	s10 =	sld [smem:$0x3FB8]  }
0x39: {  	_ = 	snop;
	(pc) =	sbr.ind lr, $3  }
0x3a: {  	_ = 	snop  }
0x3b: {  	_ = 	snop  }
0x3c: {  	p2 =	seq.s32 s10, $0x1;
	s10 =	sld [smem:$0x3FB7]  }
0x3d: {  	_ =	shalt  }
0x3e: {  	_ =	shalt  }
0x3f: {  	_ =	shalt  }
0x40: {  	_ =	shalt  }
0x41: {  	_ =	shalt  }
0x42: {  	_ =	shalt  }
0x43: {  	_ =	shalt  }
0x44: {  	_ =	shalt  }
0x45: {  	_ =	shalt  }
0x46: {  	_ =	shalt  }
0x47: {  	_ =	shalt  }
0x48: {  	_ =	shalt  }
0x49: {  	_ =	shalt  }
0x4a: {  	_ =	shalt  }
0x4b: {  	_ =	shalt  }
0x4c: {  	_ =	shalt  }
0x4d: {  	_ =	shalt  }
0x4e: {  	_ =	shalt  }
0x4f: {  	_ =	shalt  }
0x50: {  	_ =	shalt  }
0x51: {  	_ =	shalt  }
0x52: {  	_ =	shalt  }
0x53: {  	_ =	shalt  }
0x54: {  	_ =	shalt  }
0x55: {  	_ =	shalt  }
0x56: {  	_ =	shalt  }
0x57: {  	_ =	shalt  }
0x58: {  	_ =	shalt  }
0x59: {  	_ =	shalt  }
0x5a: {  	_ =	shalt  }
0x5b: {  	_ =	shalt  }
0x5c: {  	_ =	shalt  }
0x5d: {  	_ =	shalt  }
0x5e: {  	_ =	shalt  }
0x5f: {  	_ =	shalt  }
0x60: {  	_ =	shalt  }
0x61: {  	_ =	shalt  }
0x62: {  	_ =	shalt  }
0x63: {  	_ =	shalt  }
0x64: {  	_ =	shalt  }
0x65: {  	_ =	shalt  }
0x66: {  	_ =	shalt  }
0x67: {  	_ =	shalt  }
0x68: {  	_ =	shalt  }
0x69: {  	_ =	shalt  }
0x6a: {  	_ =	shalt  }
0x6b: {  	_ =	shalt  }
0x6c: {  	_ =	shalt  }
0x6d: {  	_ =	shalt  }
0x6e: {  	_ =	shalt  }
0x6f: {  	_ =	shalt  }
0x70: {  	_ =	shalt  }
0x71: {  	_ =	shalt  }
0x72: {  	_ =	shalt  }
0x73: {  	_ =	shalt  }
0x74: {  	_ =	shalt  }
0x75: {  	_ =	shalt  }
0x76: {  	_ =	shalt  }
0x77: {  	_ =	shalt  }
0x78: {  	_ =	shalt  }
0x79: {  	_ =	shalt  }
0x7a: {  	_ =	shalt  }
0x7b: {  	_ =	shalt  }
0x7c: {  	_ =	shalt  }
0x7d: {  	_ =	shalt  }
0x7e: {  	_ =	shalt  }
0x7f: {  	_ =	shalt  }
0x80: {  	_ =	shalt  }
0x81: {  	_ =	shalt  }
0x82: {  	_ =	shalt  }
0x83: {  	_ =	shalt  }
0x84: {  	_ =	shalt  }
0x85: {  	_ =	shalt  }
0x86: {  	_ =	shalt  }
0x87: {  	_ =	shalt  }
.Lfunc_end0:
.L_simem_size_0:
called_computation.2_lowered:
.L_overlay_start_0:
0x88: {  	s2 =	sld [smem:$0x3FD9]  }
0x89: {  	s3 =	sld [smem:$0x3FFE];
	_ =	sdelay $0x1  }
0x8a: {  	s1 =	srdreg.scid  }
0x8b: {  	s0 =	sand.u32 $0x1, s1  }
0x8c: {  	s14 =	sshll.u32 s0, $0xA;
	s2 =	sadd.s32 s3, s2  }
0x8d: {  	s2 =	sadd.s32 s2, s14  }
0x8e: {  	[smem:$0x3FC3] =	sst s2  }
0x8f: {  	_ = 	snop  }
0x90: {  	s2 =	sld [smem:$0x3FD0];
	_ =	sdelay $0x2  }
0x91: {  	s15 =	simm.s32 $0xB;
	s4 =	simm.s32 $0x10  }
0x92: {  	[smem:s4], [sflag:s15] =	dma.local [hbm:s2], $0x1  }
0x93: {  	_ =	swait.eq [sflag:s15], $0x1  }
0x94: {  	[sflag:s15] =	ssyncset.done $0x0  }
0x95: {  	[sflag:s15] =	ssyncadd.s32 $0xFFFFFFFF  }
0x96: {  	s16 =	sld [smem:$0x12];
	(tm) =	ssettm $0x1  }
0x97: {  	s17 =	sld [smem:$0x3FFB];
	_ =	sdelay $0x3  }
0x98: {  	_ =	strace s17  }
0x99: {  	s3 =	sld [smem:$0x3FFC];
	_ =	sdelay $0x3  }
0x9a: {  	_ =	strace s3  }
0x9b: {  	s3 =	sld [smem:$0x3FFD];
	_ =	sdelay $0x3  }
0x9c: {  	_ =	strace s3  }
0x9d: {  	_ =	strace $0x8FFFFFFF  }
0x9e: {  	s18 =	sld [smem:$0x3FDB];
	_ =	sdelay $0x1  }
0x9f: {  	s19 =	simm.s32 $_scs_section_size  }
0xa0: {  	s5 =	simm.s32 $_size__tile_overlayer_lowered;
	s6 =	simm.s32 $_tile_overlayer_lowered  }
0xa1: {  	s22 =	simm.s32 $0x1BFF;
	s21 =	sshll.u32 s6, $0x1;
	s3 =	sadd.s32 s19, s18  }
0xa2: {  	s7 =	simm.s32 $0x0;
	s20 =	sshll.u32 s5, $0x1;
	s5 =	sadd.s32 s21, s3  }
0xa3: {  	[timem:s7], [sflag:s22] =	dma.local [hbm:s5], s20  }
0xa4: {  	_ =	swait.ge [sflag:s22], s20  }
0xa5: {  	s4 =	ssub.s32 $0x0, s20;
	[sflag:s22] =	ssyncset.done $0x0  }
0xa6: {  	[sflag:s22] =	ssyncadd.s32 s4;
	_ =	sdelay $0x1  }
0xa7: {  	s23 =	simm.s32 $0x1B8B  }
0xa8: {  	_ =	swait.ge [sflag:s23], $0x1  }
0xa9: {  	[sflag:s23] =	ssyncset.done $0x0  }
0xaa: {  	s25 =	simm.s32 $0x1B8E;
	s24 =	sld [smem:$0x3FFE];
	[sflag:s23] =	ssyncadd.s32 $0xFFFFFFFF  }
0xab: {  	s26 =	simm.s32 $execute0_lowered;
	[smem:$0x3FD2] =	sst s25  }
0xac: {  	s5 =	sshll.u32 s26, $0x1;
	_ =	strace $0x80000049;
	[dreg:$0x1] =	wrdreg $0xFFFFFFFF  }
0xad: {  	s28 =	simm.s32 $_size_execute0_lowered;
	s3 =	sadd.s32 s3, s5;
	[dreg:$0x0] =	wrdreg $0x0  }
0xae: {  	s5 =	sshll.u32 s28, $0x1;
	[dreg:$0x2] =	wrdreg s3  }
0xaf: {  	[dreg:$0x3] =	wrdreg s5  }
0xb0: {  	[dreg:$0x4] =	wrdreg $0xC0  }
0xb1: {  	_ =	task [dreg:s7], $0x5FFFF  }
0xb2: {  	[dreg:$0x1] =	wrdreg $0xFFFFFFFF  }
0xb3: {  	[dreg:$0x0] =	wrdreg $0x60  }
0xb4: {  	[dreg:$0x2] =	wrdreg s16  }
0xb5: {  	[dreg:$0x3] =	wrdreg s24  }
0xb6: {  	[dreg:$0x4] =	wrdreg $0xA  }
0xb7: {  	_ =	task.clear_ibuf [dreg:s7], $0x5FFFF;
	_ =	strace $0x90000049  }
0xb8: {  	s29 =	simm.s32 $0xA;
	_ =	strace $0x8000004B  }
0xb9: {  	_ =	swait.ge [sflag:s29], $0x1  }
0xba: {  	[sflag:s29] =	ssyncadd.s32 $0xFFFFFFFF  }
0xbb: {  	_ =	strace $0x9000004B  }
0xbc: {  	_ =	sfence  }
0xbd: {  	s30 =	sld [smem:$0x0];
	_ =	sdelay $0x2  }
0xbe: {  	s31 =	sshll.u32 s1, $0xD;
	s1 =	sshrl.u32 s1, $0x2  }
0xbf: {  	s3 =	sand.u32 $0x4000, s31;
	s1 =	sadd.s32 s1, s30  }
0xc0: {  	s0 =	sor.u32 s3, s0;
	s1 =	sshll.u32 s1, $0x11  }
0xc1: {  	s0 =	sor.u32 s1, s0  }
0xc2: {  	s0 =	sadd.s32 $0x8F2B, s0  }
0xc3: {  	[sflag:s0] =	ssyncadd.remote.s32 $0x1  }
0xc4: {  	_ =	sfence.sel $0xFFFF  }
0xc5: {  	[dreg:$0x0] =	wrdreg $0xFFFFFFFF;
	(pc) =	sbr.abs _section_cstart, $3  }
0xc6: {  	[dreg:$0x1] =	wrdreg $0xFFFFFFFF  }
0xc7: {  	_ =	task.clear_ibuf [dreg:s7], $0x2FFFF;
	_ =	strace $0x9FFFFFFF  }
0xc8: {  	(tm) =	ssettm $0x7FFFFFFF  }
0xc9: {  	_ =	shalt  }
tec
execute0_lowered:
.L_overlay_start_1:
0x0: {  	(tag) =	ssettag $0x1  }
0x1: {  	s1 =	srdreg.scid  }
0x2: {  	s0 =	stileid.u32;
	s2 =	rddreg [dreg:$0x0]  }
0x3: {  	s4 =	rddreg [dreg:$0x1];
	s9 =	simm.s32 $0x4000;
	s11 =	simm.s32 $0xFB00  }
0x4: {  	s12 =	simm.s32 $0xFB80;
	s14 =	simm.s32 $0xFA80;
	s15 =	simm.s32 $0x0  }
0x5: {  	s3 =	sand.u32 $0x1, s1;
	s31 =	sshll.u32 s0, $0x1;
	s6 =	smul.u32 $0x7A20, s0  }
0x6: {  	s1 =	sor.u32 s3, s31;
	s5 =	ssub.s32 $0x2, s3;
	s8 =	smul.u32 $0x3D10, s3  }
.Ltmp0:
0x7: {  	s3 =	sadd.s32 $0x801800, s4;
	s4 =	sadd.s32 $0x1C00, s4;
	(pc) =	sbr.rel .LBB2_1-.Ltmp0, $4  }
0x8: {  	s10 =	smul.u32 $0x3D10, s1;
	s1 =	rddreg [dreg:$0x2];
	s7 =	sshrl.u32 s5, $0x1  }
0x9: {  	_ =	strace $0x8000004A;
	s5 =	ssub.s32 s5, s7;
	s6 =	sadd.s32 s8, s6  }
0xa: {  	v2 =	vimm.s32 $0xFFFFFFFF;
	s7 =	simm.s32 $0x0;
	s8 =	simm.s32 $0x2;
	s13 =	sadd.s32 $0x3D10, s10  }
0xb: {  	v3 =	vlaneseq.u32;
	s5 =	smax.u32 s5, $0x1;
	v0 =	vmov s10;
	s10 =	simm.s32 $0x80;
	v1 =	vmov s13;
	s13 =	simm.s32 $0x1  }
.LBB2_10:
0xc: {  	[sflag:s13] =	ssyncadd.s32 $0xFFFFC000  }
.LBB2_11:
0xd: {  	s15 =	sadd.s32 $0x1, s15  }
0xe: {  	p0 =	sne.s32 s15, s5  }
.Ltmp1:
0xf: {  	_ = 	snop;
	(pc) =	sbr.rel @!p0 .LBB2_12-.Ltmp1, $1  }
0x10: {  	_ =	sdelay $0x3  }
.LBB2_1:
0x11: {  	[tilespmem:s7], [sflag:$0x2] =	stream.linear.gather [hbm4b:s2+s7], $0x4000, $0x38;
	[tilespmem:$0x13B80] =	vst v63  }
0x12: {  	_ =	swait.ge [sflag:s8], $0x4000  }
0x13: {  	[sflag:s8] =	ssyncset.done $0x0  }
0x14: {  	s16 =	simm.s32 $0x40;
	s17 =	simm.s32 $0x0;
	[sflag:s8] =	ssyncadd.s32 $0xFFFFC000  }
.LBB2_2:
0x15: {  	p0 =	sne.s32 s16, $0xF400;
	[tilespmem:s17+$0x4000] =	vst v2;
	s17 =	smov.u32 s16;
	s16 =	sadd.s32 $0x40, s16  }
.Ltmp2:
0x16: {  	(pc) =	sbr.rel @p0 .LBB2_2-.Ltmp2, $2  }
0x17: {  	_ =	sdelay $0x2  }
0x18: {  	s17 =	sshra.s32 s17, $0x2  }
0x19: {  	[tilespmem:s17+$0x4000] =	vst v2;
	s16 =	simm.s32 $0x0  }
0x1a: {  	s18 =	simm.s32 $0x10;
	s17 =	simm.s32 $0x0;
	s19 =	simm.s32 $0x0;
	v4 =	vld [tilespmem:s16+$0x0]  }
.LBB2_4:
0x1b: {  	p0 =	sne.s32 s18, $0x3FF0;
	_ =	sdelay $0x3  }
0x1c: {  	vm0 =	vge.s32 v4, v0;
	vm1 =	vlt.s32 v4, v1  }
0x1d: {  	v4 =	vsub.s32 v4, v0;
	vm0 =	vmand vm0, vm1  }
0x1e: {  	v4 =	vnsel vm0, $0x0, v4;
	_ =	sdelay $0x1  }
.Ltmp3:
0x1f: {  	(pc) =	sbr.rel @p0 .LBB2_4-.Ltmp3, $4  }
0x20: {  	_ = 	snop  }
0x21: {  	v5 =	vor.u32 s17, v3;
	s17 =	smov.u32 s18  }
0x22: {  	s19 =	sadd.s32 $0x10, s19;
	[tilespmem:v4+s9+$0x0] =	vst.idx.msk vm0, v5  }
0x23: {  	s18 =	sadd.s32 $0x10, s18;
	v4 =	vld [tilespmem:s19+$0x0]  }
0x24: {  	_ =	sdelay $0x3  }
0x25: {  	vm0 =	vge.s32 v4, v0;
	vm1 =	vlt.s32 v4, v1  }
0x26: {  	v4 =	vsub.s32 v4, v0;
	vm0 =	vmand vm0, vm1  }
0x27: {  	v4 =	vnsel vm0, $0x0, v4;
	_ =	sdelay $0x3  }
0x28: {  	v5 =	vor.u32 s17, v3  }
0x29: {  	s31 =	simm.s32 $0x0;
	[tilespmem:v4+s9+$0x0] =	vst.idx.msk vm0, v5  }
0x2a: {  	v4 =	vld [tilespmem:s31+$0x4000];
	_ =	sdelay $0x4  }
0x2b: {  	vm15 =	vgt.s32 v4, $0xFFFFFFFF  }
0x2c: {  	v5 =	vmpcnt.ones.xlane vm15;
	_ =	sdelay $0x1  }
0x2d: {  	v5 =	vxor.u32 $0x80000000, v5  }
0x2e: {  	(xrf0) =	vmax.scan.msk.u32 $0xffff, v5;
	_ =	sdelay $0x5  }
0x2f: {  	v5 =	vor.u32 s6, v3;
	v6, _, _ =	vpop (xrf0)  }
0x30: {  	[tilespmem:s16+$0x7D80] =	vst.msk vm15, v5;
	(v2sf) =	vpush v6, $0xF  }
0x31: {  	s19 =	simm.s32 $0x10;
	s18 =	simm.s32 $0x80;
	s17 =	smov.u32 s6;
	[tilespmem:s16+$0xBC00] =	vst.msk vm15, v4  }
.LBB2_6:
0x32: {  	p0 =	sne.s32 s18, $0xF400;
	v4 =	vld [tilespmem:s19+$0x4000];
	_ =	sdelay $0x4  }
0x33: {  	vm0 =	vgt.s32 v4, $0xFFFFFFFF  }
0x34: {  	v5 =	vmpcnt.ones.xlane vm0;
	_ =	sdelay $0x1  }
0x35: {  	v5 =	vxor.u32 $0x80000000, v5  }
0x36: {  	(xrf0) =	vmax.scan.msk.u32 $0xffff, v5;
	_ =	sdelay $0x3  }
.Ltmp4:
0x37: {  	s19 =	spop (v2sf);
	(pc) =	sbr.rel @p0 .LBB2_6-.Ltmp4, $4  }
0x38: {  	s17 =	sadd.s32 $0x10, s17;
	s16 =	sadd.s32 s19, s16  }
0x39: {  	v5 =	vor.u32 s17, v3;
	v6, _, _ =	vpop (xrf0);
	s16 =	sadd.s32 $0x80000000, s16  }
0x3a: {  	[tilespmem:s16+$0x7D80] =	vst.msk vm0, v5;
	(v2sf) =	vpush v6, $0xF  }
0x3b: {  	s19 =	sshra.s32 s18, $0x2;
	s18 =	sadd.s32 $0x40, s18;
	[tilespmem:s16+$0xBC00] =	vst.msk vm0, v4  }
0x3c: {  	v4 =	vld [tilespmem:s19+$0x4000];
	_ =	sdelay $0x4  }
0x3d: {  	vm0 =	vgt.s32 v4, $0xFFFFFFFF  }
0x3e: {  	v5 =	vmpcnt.ones.xlane vm0;
	_ =	sdelay $0x1  }
0x3f: {  	v5 =	vxor.u32 $0x80000000, v5  }
0x40: {  	(xrf0) =	vmax.scan.msk.u32 $0xffff, v5;
	_ =	sdelay $0x5  }
0x41: {  	v5, _, _ =	vpop (xrf0)  }
0x42: {  	(v2sf) =	vpush v5, $0xF;
	_ =	sdelay $0xc  }
0x43: {  	s18 =	spop (v2sf)  }
0x44: {  	s16 =	sadd.s32 s18, s16  }
0x45: {  	s16 =	sadd.s32 $0x80000000, s16;
	s31 =	spop (v2sf)  }
0x46: {  	s18 =	sadd.s32 s31, s16  }
0x47: {  	s19 =	sadd.s32 $0x80000000, s18  }
0x48: {  	p0 =	slt.s32 s19, $0x1  }
0x49: {  	s18 =	sadd.s32 @!p0 $0xFFFFFFFF, s19  }
0x4a: {  	v5 =	vmov @!p0 s18  }
0x4b: {  	s17 =	sadd.s32 $0x10, s17  }
0x4c: {  	v6 =	vor.u32 s17, v3  }
0x4d: {  	[tilespmem:s16+$0x7D80] =	vst.msk vm0, v6  }
0x4e: {  	[tilespmem:s16+$0xBC00] =	vst.msk vm0, v4;
	s16 =	simm.s32 @!p0 $0x7D80  }
0x4f: {  	v4 =	vld.idx.msk @!p0 [tilespmem:v5+s16+$0x0], $0xffff;
	_ =	sdelay $0x3  }
0x50: {  	s16 =	simm.s32 @!p0 $0xBC00  }
0x51: {  	v5 =	vld.idx.msk @!p0 [tilespmem:v5+s16+$0x0], $0xffff;
	[tilespmem:s19+$0x7D80] =	vst @!p0 v4  }
0x52: {  	s16 =	sadd.s32 @!p0 $0x7F, s19;
	[tilespmem:s19+$0x7D90] =	vst @!p0 v4  }
0x53: {  	s17 =	sand.u32 @!p0 $0x7F, s16;
	[tilespmem:s19+$0x7DA0] =	vst @!p0 v4  }
0x54: {  	p1 =	slt.s32 @!p0 s16, $0x0;
	p2 =	sne.s32 @!p0 s17, $0x0;
	[tilespmem:s19+$0x7DB0] =	vst @!p0 v4  }
0x55: {  	s17 =	sshra.s32 @!p0 s16, $0x1F;
	p1 =	por @!p0 !p1, !p2;
	[tilespmem:s19+$0x7DC0] =	vst @!p0 v4  }
0x56: {  	s17 =	sshrl.u32 @!p0 s17, $0x19;
	p1 =	por @!p0 !p1, !p1;
	[tilespmem:s19+$0x7DD0] =	vst @!p0 v4  }
0x57: {  	s16 =	sadd.s32 @!p0 s17, s16;
	s17 =	simm.s32 @!p0 $0x1;
	[tilespmem:s19+$0x7DE0] =	vst @!p0 v4;
	p1 =	por !p1, p0  }
0x58: {  	[tilespmem:s19+$0x7DF0] =	vst @!p0 v4;
	s16 =	sshra.s32 @!p0 s16, $0x7;
	s17 =	simm.s32 @p1 $0x0  }
0x59: {  	[tilespmem:s19+$0xBC00] =	vst @!p0 v5;
	s18 =	ssub.s32 @!p0 s16, s17  }
0x5a: {  	[tilespmem:s19+$0xBC10] =	vst @!p0 v5;
	p1 =	slt.s32 @!p0 s18, $0x1  }
0x5b: {  	[tilespmem:s19+$0xBC20] =	vst @!p0 v5;
	p1 =	por p0, p1  }
.Ltmp5:
0x5c: {  	[tilespmem:s19+$0xBC30] =	vst @!p0 v5;
	(pc) =	sbr.rel @p1 .LBB2_11-.Ltmp5, $4  }
0x5d: {  	[tilespmem:s19+$0xBC40] =	vst @!p0 v5  }
0x5e: {  	[tilespmem:s19+$0xBC50] =	vst @!p0 v5  }
0x5f: {  	[tilespmem:s19+$0xBC60] =	vst @!p0 v5  }
0x60: {  	[tilespmem:s19+$0xBC70] =	vst @!p0 v5  }
0x61: {  	s16 =	simm.s32 @!p0 $0x7DC0  }
0x62: {  	v4 =	vld [tilespmem:s16+$0xFFFFFFC0];
	_ =	sdelay $0x4  }
0x63: {  	s17 =	simm.s32 @!p0 $0xBC40;
	[tilespmem:$0xFA80] =	vst v4  }
0x64: {  	v4 =	vld [tilespmem:s17+$0xFFFFFFC0];
	_ =	sdelay $0x4  }
0x65: {  	[tilespmem:$0xFB00] =	vst v4  }
0x66: {  	v4 =	vld [tilespmem:s16+$0xFFFFFFD0];
	_ =	sdelay $0x4  }
0x67: {  	[tilespmem:$0xFA90] =	vst v4  }
0x68: {  	v4 =	vld [tilespmem:s17+$0xFFFFFFD0];
	_ =	sdelay $0x4  }
0x69: {  	[tilespmem:$0xFB10] =	vst v4  }
0x6a: {  	v4 =	vld [tilespmem:s16+$0xFFFFFFE0];
	_ =	sdelay $0x4  }
0x6b: {  	[tilespmem:$0xFAA0] =	vst v4  }
0x6c: {  	v4 =	vld [tilespmem:s17+$0xFFFFFFE0];
	_ =	sdelay $0x4  }
0x6d: {  	[tilespmem:$0xFB20] =	vst v4  }
0x6e: {  	v4 =	vld [tilespmem:s16+$0xFFFFFFF0];
	_ =	sdelay $0x4  }
0x6f: {  	[tilespmem:$0xFAB0] =	vst v4  }
0x70: {  	v4 =	vld [tilespmem:s17+$0xFFFFFFF0];
	_ =	sdelay $0x4  }
0x71: {  	[tilespmem:$0xFB30] =	vst v4  }
0x72: {  	v4 =	vld [tilespmem:s16+$0x0];
	_ =	sdelay $0x4  }
0x73: {  	[tilespmem:$0xFAC0] =	vst v4  }
0x74: {  	v4 =	vld [tilespmem:s17+$0x0];
	_ =	sdelay $0x4  }
0x75: {  	[tilespmem:$0xFB40] =	vst v4  }
0x76: {  	v4 =	vld [tilespmem:s16+$0x10];
	_ =	sdelay $0x4  }
0x77: {  	[tilespmem:$0xFAD0] =	vst v4  }
0x78: {  	v4 =	vld [tilespmem:s17+$0x10];
	_ =	sdelay $0x4  }
0x79: {  	[tilespmem:$0xFB50] =	vst v4  }
0x7a: {  	v4 =	vld [tilespmem:s16+$0x20];
	_ =	sdelay $0x4  }
0x7b: {  	[tilespmem:$0xFAE0] =	vst v4  }
0x7c: {  	v4 =	vld [tilespmem:s17+$0x20];
	_ =	sdelay $0x4  }
0x7d: {  	[tilespmem:$0xFB60] =	vst v4  }
0x7e: {  	v4 =	vld [tilespmem:s16+$0x30];
	_ =	sdelay $0x4  }
0x7f: {  	[tilespmem:$0xFAF0] =	vst v4  }
0x80: {  	v4 =	vld [tilespmem:s17+$0x30];
	_ =	sdelay $0x4  }
0x81: {  	[tilespmem:$0xFB70] =	vst v4  }
0x82: {  	[tilespmem:s12], [sflag:$0x1] =	stream.indirect.gather [hbm4b:s3+s10], $0x80, s11, s10, $0xb8;
	[tilespmem:$0x13B80] =	vst v63  }
0x83: {  	p0 =	sne.s32 s18, $0x1;
	_ =	swait.ge [sflag:s13], $0x4000  }
.Ltmp6:
0x84: {  	[sflag:s13] =	ssyncset.done $0x0;
	(pc) =	sbr.rel @!p0 .LBB2_10-.Ltmp6, $4  }
0x85: {  	[sflag:s13] =	ssyncadd.s32 $0xFFFFC000  }
0x86: {  	[hbm4b:s4+s10] =	stream.indirect.scatter [tilespmem:s12], [sflag:$0x1], $0x80, s14, s10, $0xb8;
	[tilespmem:$0x13B80] =	vst v63  }
0x87: {  	_ =	swait.ge [sflag:s13], $0x4000  }
0x88: {  	s18 =	sadd.s32 $0xFFFFFFFF, s18;
	[sflag:s13] =	ssyncset.done $0x0  }
.LBB2_9:
0x89: {  	[sflag:s13] =	ssyncadd.s32 $0xFFFFC000;
	s16 =	sadd.s32 $0x80, s16;
	s17 =	sadd.s32 $0x80, s17  }
0x8a: {  	p0 =	sne.s32 s18, $0x1;
	s18 =	sadd.s32 $0xFFFFFFFF, s18;
	v4 =	vld [tilespmem:s16+$0xFFFFFFC0];
	_ =	sdelay $0x4  }
0x8b: {  	[tilespmem:$0xFA80] =	vst v4  }
0x8c: {  	v4 =	vld [tilespmem:s17+$0xFFFFFFC0];
	_ =	sdelay $0x4  }
0x8d: {  	[tilespmem:$0xFB00] =	vst v4  }
0x8e: {  	v4 =	vld [tilespmem:s16+$0xFFFFFFD0];
	_ =	sdelay $0x4  }
0x8f: {  	[tilespmem:$0xFA90] =	vst v4  }
0x90: {  	v4 =	vld [tilespmem:s17+$0xFFFFFFD0];
	_ =	sdelay $0x4  }
0x91: {  	[tilespmem:$0xFB10] =	vst v4  }
0x92: {  	v4 =	vld [tilespmem:s16+$0xFFFFFFE0];
	_ =	sdelay $0x4  }
0x93: {  	[tilespmem:$0xFAA0] =	vst v4  }
0x94: {  	v4 =	vld [tilespmem:s17+$0xFFFFFFE0];
	_ =	sdelay $0x4  }
0x95: {  	[tilespmem:$0xFB20] =	vst v4  }
0x96: {  	v4 =	vld [tilespmem:s16+$0xFFFFFFF0];
	_ =	sdelay $0x4  }
0x97: {  	[tilespmem:$0xFAB0] =	vst v4  }
0x98: {  	v4 =	vld [tilespmem:s17+$0xFFFFFFF0];
	_ =	sdelay $0x4  }
0x99: {  	[tilespmem:$0xFB30] =	vst v4  }
0x9a: {  	v4 =	vld [tilespmem:s16+$0x0];
	_ =	sdelay $0x4  }
0x9b: {  	[tilespmem:$0xFAC0] =	vst v4  }
0x9c: {  	v4 =	vld [tilespmem:s17+$0x0];
	_ =	sdelay $0x4  }
0x9d: {  	[tilespmem:$0xFB40] =	vst v4  }
0x9e: {  	v4 =	vld [tilespmem:s16+$0x10];
	_ =	sdelay $0x4  }
0x9f: {  	[tilespmem:$0xFAD0] =	vst v4  }
0xa0: {  	v4 =	vld [tilespmem:s17+$0x10];
	_ =	sdelay $0x4  }
0xa1: {  	[tilespmem:$0xFB50] =	vst v4  }
0xa2: {  	v4 =	vld [tilespmem:s16+$0x20];
	_ =	sdelay $0x4  }
0xa3: {  	[tilespmem:$0xFAE0] =	vst v4  }
0xa4: {  	v4 =	vld [tilespmem:s17+$0x20];
	_ =	sdelay $0x4  }
0xa5: {  	[tilespmem:$0xFB60] =	vst v4  }
0xa6: {  	v4 =	vld [tilespmem:s16+$0x30];
	_ =	sdelay $0x4  }
0xa7: {  	[tilespmem:$0xFAF0] =	vst v4  }
0xa8: {  	v4 =	vld [tilespmem:s17+$0x30];
	_ =	sdelay $0x4  }
0xa9: {  	[tilespmem:$0xFB70] =	vst v4  }
0xaa: {  	[tilespmem:s12], [sflag:$0x1] =	stream.indirect.gather [hbm4b:s3+s10], $0x80, s11, s10, $0xb8;
	[tilespmem:$0x13B80] =	vst v63  }
0xab: {  	_ =	swait.ge [sflag:s13], $0x4000  }
.Ltmp7:
0xac: {  	[sflag:s13] =	ssyncset.done $0x0;
	(pc) =	sbr.rel @p0 .LBB2_9-.Ltmp7, $4  }
0xad: {  	[sflag:s13] =	ssyncadd.s32 $0xFFFFC000  }
0xae: {  	[hbm4b:s4+s10] =	stream.indirect.scatter [tilespmem:s12], [sflag:$0x1], $0x80, s14, s10, $0xb8;
	[tilespmem:$0x13B80] =	vst v63  }
0xaf: {  	_ =	swait.ge [sflag:s13], $0x4000  }
0xb0: {  	[sflag:s13] =	ssyncset.done $0x0  }
.Ltmp8:
0xb1: {  	_ = 	snop;
	(pc) =	sbr.rel .LBB2_10-.Ltmp8, $1  }
0xb2: {  	_ =	sdelay $0x3  }
.LBB2_12:
0xb3: {  	_ =	sfence.sel $0x180000  }
0xb4: {  	[bflag:$0x0] =	sbarrier.arrive $0xFFFF  }
0xb5: {  	p0 =	sne.s32 s0, $0x0;
	_ =	strace $0x9000004A  }
0xb6: {  	s0 =	sadd.s32 @!p0 $0x100000, s1;
	[bflag:$0x2] =	sbarrier.arrive $0xFFFF  }
0xb7: {  	[sflag:s0] =	ssyncadd.tile.s32 @!p0 $0x1;
	_ =	shalt  }
.Lfunc_end2:
_tile_overlayer_lowered:
.L_overlay_start_2:
0xb8: {  	(tag) =	ssettag $0x2  }
0xb9: {  	s0 =	rddreg [dreg:$0x0];
	s2 =	stileid.u32  }
0xba: {  	s1 =	rddreg [dreg:$0x1];
	p0 =	sne.s32 s2, $0x0  }
0xbb: {  	s3 =	rddreg [dreg:$0x2];
	[bflag:$0x3] =	sbarrier.arrive $0xFFFF;
	s2 =	simm.s32 @!p0 $0x1C02  }
0xbc: {  	[timem:s3], [sflag:s2] =	dma.local @!p0 [hbm:s0], s1  }
0xbd: {  	s0 =	simm.s32 @!p0 $0x2  }
0xbe: {  	_ =	swait.ge @!p0 [sflag:s0], s1  }
0xbf: {  	s1 =	ssub.s32 @!p0 $0x0, s1;
	[sflag:s0] =	ssyncset.done @!p0 $0x0  }
0xc0: {  	[sflag:s0] =	ssyncadd.s32 @!p0 s1  }
0xc1: {  	[bflag:$0x3] =	sbarrier.arrive $0xFFFF  }
0xc2: {  	_ =	shalt  }

// kernel: kernel.8.cloned.1.call-start
scs
__scs_entry_jumppad:
0x0: {  	(pc) =	sbr.rel $0x88, $3  }
0x1: {  	(tag) =	ssettag $0x0;
	lr =	simm.s32 $0x1  }
0x2: {  	[smem:$0x3F9C] =	sst lr;
	_ =	strace $0xD0000000  }
0x3: {  	_ = 	snop  }
0x4: {  	_ = 	snop  }
0x5: {  	_ = 	snop  }
0x6: {  	_ = 	snop  }
0x7: {  	_ = 	snop  }
__scs_overlays_trampoline_lowered:
0x8: {  	[smem:$0x3FAB] =	sst s0  }
0x9: {  	[smem:$0x3FAC] =	sst s1  }
0xa: {  	[smem:$0x3FAD] =	sst s2  }
0xb: {  	[smem:$0x3FAE] =	sst s3  }
0xc: {  	[smem:$0x3FAF] =	sst s4  }
0xd: {  	[smem:$0x3FB0] =	sst s5  }
0xe: {  	[smem:$0x3FB1] =	sst s6  }
0xf: {  	[smem:$0x3FB2] =	sst s7  }
0x10: {  	[smem:$0x3FB3] =	sst s8  }
0x11: {  	[smem:$0x3FB4] =	sst s9;
	s0 =	simm.s32 @!p0 $0x0  }
0x12: {  	s1 =	sld [smem:$0x3F9A];
	s0 =	simm.s32 @p0 $0x1  }
0x13: {  	[smem:$0x3FB5] =	sst s0;
	s0 =	simm.s32 @!p1 $0x0  }
0x14: {  	s2 =	sld [smem:$0x3F99];
	s0 =	simm.s32 @p1 $0x1  }
0x15: {  	[smem:$0x3FB6] =	sst s0;
	s0 =	simm.s32 @!p2 $0x0  }
0x16: {  	s3 =	sld [smem:$0x3FDB];
	s0 =	simm.s32 @p2 $0x1  }
0x17: {  	s4 =	simm.s32 $0x1BF5;
	[smem:$0x3FB8] =	sst s0  }
0x18: {  	s0 =	sld [smem:$0x3F9B];
	_ =	swait.ge [sflag:s4], $0x0  }
0x19: {  	s7 =	sld [smem:$0x3F9C]  }
0x1a: {  	s8 =	sadd.s32 $0xFFFFE003, lr  }
0x1b: {  	s9 =	sadd.s32 $0xFFFFFEF7, lr;
	s5 =	simm.s32 $0xFFFFFFFF;
	p2 =	slt.u32 s8, $0xFFFFF086  }
0x1c: {  	p1 =	slt.u32 s9, $0xF7A;
	s5 =	simm.s32 @!p2 $0x0  }
0x1d: {  	s5 =	simm.s32 @p1 $0x1;
	p0 =	seq.s32 s7, s2  }
0x1e: {  	s7 =	smul.u32 @!p0 $0xF7A, s2;
	p2 =	seq.s32 @!p0 s5, $0x0  }
0x1f: {  	s9 =	smul.u32 $0xF7A, s1;
	s8 =	simm.s32 @!p0 $0x1BF5;
	p2 =	por !p2, p0  }
0x20: {  	[sflag:s8] =	ssyncset.s32 @!p0 $0xFFFFF086;
	s6 =	sadd.s32 @!p0 s3, s7;
	s7 =	simm.s32 @!p0 $0x108  }
0x21: {  	s3 =	sadd.s32 s3, s9;
	s6 =	sadd.s32 @!p0 $0x88, s6;
	s7 =	simm.s32 @p2 $0x1082  }
0x22: {  	[simem:s7], [sflag:s8] =	dma.local @!p0 [hbm:s6], $0xF7A  }
0x23: {  	s9 =	sor.u32 $0xD0000000, s2;
	s6 =	simm.s32 $0x108;
	_ =	swait.ge @!p0 [sflag:s8], $0x0  }
0x24: {  	s3 =	sadd.s32 $0x88, s3;
	s6 =	simm.s32 @!p1 $0x1082;
	[sflag:s4] =	ssyncset.s32 $0xFFFFF086  }
0x25: {  	[simem:s6], [sflag:s4] =	dma.local [hbm:s3], $0xF7A  }
0x26: {  	[smem:$0x3F9C] =	sst s1;
	(tag) =	ssettag s2;
	_ =	strace s9  }
0x27: {  	s1 =	sld [smem:$0x3FAC]  }
0x28: {  	s2 =	sld [smem:$0x3FAD]  }
0x29: {  	s4 =	sld [smem:$0x3FAF]  }
0x2a: {  	p0 =	seq.s32 s5, $0x0;
	s5 =	sld [smem:$0x3FB0]  }
0x2b: {  	s6 =	sld [smem:$0x3FB1]  }
0x2c: {  	s7 =	sld [smem:$0x3FB2]  }
0x2d: {  	s3 =	simm.s32 $0x108;
	s8 =	sld [smem:$0x3FB3]  }
0x2e: {  	s3 =	simm.s32 @!p0 $0x1082;
	s9 =	sld [smem:$0x3FB4]  }
0x2f: {  	lr =	sadd.s32 s0, s3;
	s0 =	sld [smem:$0x3FAB]  }
0x30: {  	s3 =	sld [smem:$0x3FAE]  }
0x31: {  	[smem:$0x3FB7] =	sst s10  }
0x32: {  	s10 =	sld [smem:$0x3FB5];
	_ =	sdelay $0x3  }
0x33: {  	p0 =	seq.s32 s10, $0x1;
	s10 =	sld [smem:$0x3FB7];
	_ =	sdelay $0x3  }
0x34: {  	[smem:$0x3FB7] =	sst s10  }
0x35: {  	s10 =	sld [smem:$0x3FB6];
	_ =	sdelay $0x3  }
0x36: {  	p1 =	seq.s32 s10, $0x1;
	s10 =	sld [smem:$0x3FB7];
	_ =	sdelay $0x3  }
0x37: {  	[smem:$0x3FB7] =	sst s10  }
0x38: {  	s10 =	sld [smem:$0x3FB8]  }
0x39: {  	_ = 	snop;
	(pc) =	sbr.ind lr, $3  }
0x3a: {  	_ = 	snop  }
0x3b: {  	_ = 	snop  }
0x3c: {  	p2 =	seq.s32 s10, $0x1;
	s10 =	sld [smem:$0x3FB7]  }
0x3d: {  	_ =	shalt  }
0x3e: {  	_ =	shalt  }
0x3f: {  	_ =	shalt  }
0x40: {  	_ =	shalt  }
0x41: {  	_ =	shalt  }
0x42: {  	_ =	shalt  }
0x43: {  	_ =	shalt  }
0x44: {  	_ =	shalt  }
0x45: {  	_ =	shalt  }
0x46: {  	_ =	shalt  }
0x47: {  	_ =	shalt  }
0x48: {  	_ =	shalt  }
0x49: {  	_ =	shalt  }
0x4a: {  	_ =	shalt  }
0x4b: {  	_ =	shalt  }
0x4c: {  	_ =	shalt  }
0x4d: {  	_ =	shalt  }
0x4e: {  	_ =	shalt  }
0x4f: {  	_ =	shalt  }
0x50: {  	_ =	shalt  }
0x51: {  	_ =	shalt  }
0x52: {  	_ =	shalt  }
0x53: {  	_ =	shalt  }
0x54: {  	_ =	shalt  }
0x55: {  	_ =	shalt  }
0x56: {  	_ =	shalt  }
0x57: {  	_ =	shalt  }
0x58: {  	_ =	shalt  }
0x59: {  	_ =	shalt  }
0x5a: {  	_ =	shalt  }
0x5b: {  	_ =	shalt  }
0x5c: {  	_ =	shalt  }
0x5d: {  	_ =	shalt  }
0x5e: {  	_ =	shalt  }
0x5f: {  	_ =	shalt  }
0x60: {  	_ =	shalt  }
0x61: {  	_ =	shalt  }
0x62: {  	_ =	shalt  }
0x63: {  	_ =	shalt  }
0x64: {  	_ =	shalt  }
0x65: {  	_ =	shalt  }
0x66: {  	_ =	shalt  }
0x67: {  	_ =	shalt  }
0x68: {  	_ =	shalt  }
0x69: {  	_ =	shalt  }
0x6a: {  	_ =	shalt  }
0x6b: {  	_ =	shalt  }
0x6c: {  	_ =	shalt  }
0x6d: {  	_ =	shalt  }
0x6e: {  	_ =	shalt  }
0x6f: {  	_ =	shalt  }
0x70: {  	_ =	shalt  }
0x71: {  	_ =	shalt  }
0x72: {  	_ =	shalt  }
0x73: {  	_ =	shalt  }
0x74: {  	_ =	shalt  }
0x75: {  	_ =	shalt  }
0x76: {  	_ =	shalt  }
0x77: {  	_ =	shalt  }
0x78: {  	_ =	shalt  }
0x79: {  	_ =	shalt  }
0x7a: {  	_ =	shalt  }
0x7b: {  	_ =	shalt  }
0x7c: {  	_ =	shalt  }
0x7d: {  	_ =	shalt  }
0x7e: {  	_ =	shalt  }
0x7f: {  	_ =	shalt  }
0x80: {  	_ =	shalt  }
0x81: {  	_ =	shalt  }
0x82: {  	_ =	shalt  }
0x83: {  	_ =	shalt  }
0x84: {  	_ =	shalt  }
0x85: {  	_ =	shalt  }
0x86: {  	_ =	shalt  }
0x87: {  	_ =	shalt  }
.Lfunc_end0:
.L_simem_size_0:
called_computation_lowered:
.L_overlay_start_0:
0x88: {  	s2 =	sld [smem:$0x3FD9]  }
0x89: {  	s3 =	sld [smem:$0x3FFE];
	_ =	sdelay $0x1  }
0x8a: {  	s1 =	srdreg.scid  }
0x8b: {  	s0 =	sand.u32 $0x1, s1  }
0x8c: {  	s14 =	sshll.u32 s0, $0xA;
	s2 =	sadd.s32 s3, s2  }
0x8d: {  	s2 =	sadd.s32 s2, s14  }
0x8e: {  	[smem:$0x3FC3] =	sst s2  }
0x8f: {  	_ = 	snop  }
0x90: {  	s2 =	sld [smem:$0x3FD0];
	_ =	sdelay $0x2  }
0x91: {  	s4 =	simm.s32 $0xB;
	s5 =	simm.s32 $0x10;
	s15 =	sld [smem:$0x3FC8]  }
0x92: {  	[smem:s5], [sflag:s4] =	dma.local [hbm:s2], $0x1  }
0x93: {  	_ =	swait.eq [sflag:s4], $0x1  }
0x94: {  	[sflag:s4] =	ssyncset.done $0x0  }
0x95: {  	s16 =	sld [smem:$0x11];
	[sflag:s4] =	ssyncadd.s32 $0xFFFFFFFF  }
0x96: {  	s17 =	sld [smem:$0x12];
	(tm) =	ssettm $0x1  }
0x97: {  	s18 =	sld [smem:$0x3FFB];
	_ =	sdelay $0x3  }
0x98: {  	_ =	strace s18  }
0x99: {  	s5 =	sld [smem:$0x3FFC];
	_ =	sdelay $0x3  }
0x9a: {  	_ =	strace s5  }
0x9b: {  	s5 =	sld [smem:$0x3FFD];
	_ =	sdelay $0x3  }
0x9c: {  	_ =	strace s5  }
0x9d: {  	_ =	strace $0x8FFFFFFF  }
0x9e: {  	s19 =	sld [smem:$0x3FDB];
	_ =	sdelay $0x1  }
0x9f: {  	s6 =	simm.s32 $_scs_section_size  }
0xa0: {  	s7 =	simm.s32 $_size__tile_overlayer_lowered;
	s8 =	simm.s32 $_tile_overlayer_lowered  }
0xa1: {  	s22 =	simm.s32 $0x1BFF;
	s21 =	sshll.u32 s8, $0x1;
	s5 =	sadd.s32 s6, s19  }
0xa2: {  	s9 =	simm.s32 $0x0;
	s20 =	sshll.u32 s7, $0x1;
	s7 =	sadd.s32 s21, s5  }
0xa3: {  	[timem:s9], [sflag:s22] =	dma.local [hbm:s7], s20  }
0xa4: {  	_ =	swait.ge [sflag:s22], s20  }
0xa5: {  	s6 =	ssub.s32 $0x0, s20;
	[sflag:s22] =	ssyncset.done $0x0  }
0xa6: {  	[sflag:s22] =	ssyncadd.s32 s6;
	_ =	sdelay $0x1  }
0xa7: {  	s23 =	simm.s32 $0x1B8B  }
0xa8: {  	_ =	swait.ge [sflag:s23], $0x1  }
0xa9: {  	[sflag:s23] =	ssyncset.done $0x0  }
0xaa: {  	s25 =	simm.s32 $0x1B8E;
	s24 =	sld [smem:$0x3FFE];
	[sflag:s23] =	ssyncadd.s32 $0xFFFFFFFF  }
0xab: {  	s26 =	simm.s32 $execute0_lowered;
	[smem:$0x3FD2] =	sst s25  }
0xac: {  	s7 =	sshll.u32 s26, $0x1;
	_ =	strace $0x80000046;
	[dreg:$0x1] =	wrdreg $0xFFFFFFFF  }
0xad: {  	s28 =	simm.s32 $_size_execute0_lowered;
	s5 =	sadd.s32 s5, s7;
	[dreg:$0x0] =	wrdreg $0x0  }
0xae: {  	s7 =	sshll.u32 s28, $0x1;
	[dreg:$0x2] =	wrdreg s5  }
0xaf: {  	[dreg:$0x3] =	wrdreg s7  }
0xb0: {  	[dreg:$0x4] =	wrdreg $0xC0  }
0xb1: {  	_ =	task [dreg:s9], $0x5FFFF  }
0xb2: {  	[dreg:$0x1] =	wrdreg $0xFFFFFFFF  }
0xb3: {  	[dreg:$0x0] =	wrdreg $0x60  }
0xb4: {  	[dreg:$0x2] =	wrdreg s15  }
0xb5: {  	[dreg:$0x3] =	wrdreg s24  }
0xb6: {  	[dreg:$0x4] =	wrdreg s16  }
0xb7: {  	[dreg:$0x5] =	wrdreg s17  }
0xb8: {  	[dreg:$0x6] =	wrdreg $0x9  }
0xb9: {  	_ =	task.clear_ibuf [dreg:s9], $0x7FFFF;
	_ =	strace $0x90000046  }
0xba: {  	s29 =	simm.s32 $0x9;
	_ =	strace $0x80000048  }
0xbb: {  	_ =	swait.ge [sflag:s29], $0x1  }
0xbc: {  	[sflag:s29] =	ssyncadd.s32 $0xFFFFFFFF  }
0xbd: {  	_ =	strace $0x90000048  }
0xbe: {  	_ =	sfence  }
0xbf: {  	s30 =	sld [smem:$0x0];
	_ =	sdelay $0x2  }
0xc0: {  	s31 =	sshll.u32 s1, $0xD;
	s1 =	sshrl.u32 s1, $0x2  }
0xc1: {  	s3 =	sand.u32 $0x4000, s31;
	s1 =	sadd.s32 s1, s30  }
0xc2: {  	s0 =	sor.u32 s3, s0;
	s1 =	sshll.u32 s1, $0x11  }
0xc3: {  	s0 =	sor.u32 s1, s0  }
0xc4: {  	s0 =	sadd.s32 $0x8F2B, s0  }
0xc5: {  	[sflag:s0] =	ssyncadd.remote.s32 $0x1  }
0xc6: {  	_ =	sfence.sel $0xFFFF  }
0xc7: {  	[dreg:$0x0] =	wrdreg $0xFFFFFFFF;
	(pc) =	sbr.abs _section_cstart, $3  }
0xc8: {  	[dreg:$0x1] =	wrdreg $0xFFFFFFFF  }
0xc9: {  	_ =	task.clear_ibuf [dreg:s9], $0x2FFFF;
	_ =	strace $0x9FFFFFFF  }
0xca: {  	(tm) =	ssettm $0x7FFFFFFF  }
0xcb: {  	_ =	shalt  }
tec
execute0_lowered:
.L_overlay_start_1:
0x0: {  	(tag) =	ssettag $0x1  }
0x1: {  	s0 =	rddreg [dreg:$0x0]  }
0x2: {  	s6 =	rddreg [dreg:$0x1]  }
0x3: {  	s7 =	rddreg [dreg:$0x2]  }
0x4: {  	s9 =	rddreg [dreg:$0x3];
	s2 =	simm.s32 $0x0;
	s3 =	srdreg.scid  }
0x5: {  	s1 =	stileid.u32;
	s14 =	simm.s32 $0x80;
	s15 =	simm.s32 $0x200  }
0x6: {  	s17 =	simm.s32 $0x100;
	s18 =	simm.s32 $0x300;
	s19 =	simm.s32 $0x180  }
0x7: {  	s20 =	simm.s32 $0x380;
	s21 =	simm.s32 $0x600;
	s22 =	simm.s32 $0x800  }
0x8: {  	s23 =	simm.s32 $0x400;
	s24 =	simm.s32 $0x680;
	s25 =	simm.s32 $0x700  }
0x9: {  	s26 =	simm.s32 $0x780;
	s28 =	simm.s32 $0x0;
	[smem:$0x7FF] =	sst s2  }
0xa: {  	s8 =	sand.u32 $0x1, s3;
	s3 =	sadd.s32 $0x7A2E00, s6;
	s5 =	sshll.u32 s1, $0xA  }
0xb: {  	s4 =	sadd.s32 $0x1C00, s6;
	s10 =	sshll.u32 s8, $0x9;
	s8 =	ssub.s32 $0x2, s8  }
0xc: {  	_ =	strace $0x80000047;
	s5 =	sor.u32 s10, s5;
	s11 =	sshrl.u32 s8, $0x1  }
0xd: {  	s10 =	sshll.u32 s5, $0x4;
	s12 =	sshrl.u32 s5, $0x3;
	s11 =	ssub.s32 s8, s11  }
0xe: {  	s13 =	sadd.s32 s10, s6;
	s6 =	sadd.s32 s0, s12;
	s7 =	sadd.s32 s7, s10  }
0xf: {  	v0 =	vlaneseq.u32;
	s9 =	sadd.s32 s9, s12;
	s10 =	smax.u32 s11, $0x1;
	s11 =	simm.s32 $0x2  }
0x10: {  	v1 =	vor.u32 $0x10, v0;
	v2 =	vor.u32 $0x20, v0;
	v3 =	vor.u32 $0x30, v0;
	s12 =	simm.s32 $0x4800;
	s8 =	sadd.s32 $0x7C1800, s13;
	s13 =	simm.s32 $0x1  }
.LBB2_1:
0x11: {  	[tilespmem:s2], [sflag:$0x2] =	stream.linear.gather [hbm4b:s6+s2], $0x200, $0x38;
	[tilespmem:$0x14800] =	vst v63  }
0x12: {  	_ =	swait.ge [sflag:s11], $0x200  }
0x13: {  	[sflag:s11] =	ssyncset.done $0x0  }
0x14: {  	[sflag:s11] =	ssyncadd.s32 $0xFFFFFE00  }
0x15: {  	[tilespmem:s12], [sflag:$0x1] =	stream.linear.gather [hbm4b:s7+s2], $0x10000, $0x38;
	[tilespmem:$0x14800] =	vst v63  }
0x16: {  	_ =	swait.ge [sflag:s13], $0x10000  }
0x17: {  	[sflag:s13] =	ssyncset.done $0x0  }
0x18: {  	[sflag:s13] =	ssyncadd.s32 $0xFFFF0000  }
0x19: {  	[tilespmem:s15], [sflag:$0x1] =	stream.indirect.gather [hbm4b:s3+s14], $0x1, s2, s14, $0xb8;
	[tilespmem:$0x14800] =	vst v63  }
0x1a: {  	_ =	swait.ge [sflag:s13], $0x80  }
0x1b: {  	[sflag:s13] =	ssyncset.done $0x0  }
0x1c: {  	s0 =	simm.s32 $0x280;
	[sflag:s13] =	ssyncadd.s32 $0xFFFFFF80  }
0x1d: {  	[tilespmem:s0], [sflag:$0x1] =	stream.indirect.gather [hbm4b:s3+s14], $0x1, s14, s14, $0xb8;
	[tilespmem:$0x14800] =	vst v63  }
0x1e: {  	_ =	swait.ge [sflag:s13], $0x80  }
0x1f: {  	[sflag:s13] =	ssyncset.done $0x0  }
0x20: {  	[sflag:s13] =	ssyncadd.s32 $0xFFFFFF80  }
0x21: {  	[tilespmem:s18], [sflag:$0x1] =	stream.indirect.gather [hbm4b:s3+s14], $0x1, s17, s14, $0xb8;
	[tilespmem:$0x14800] =	vst v63  }
0x22: {  	_ =	swait.ge [sflag:s13], $0x80  }
0x23: {  	[sflag:s13] =	ssyncset.done $0x0  }
0x24: {  	[sflag:s13] =	ssyncadd.s32 $0xFFFFFF80  }
0x25: {  	[tilespmem:s20], [sflag:$0x1] =	stream.indirect.gather [hbm4b:s3+s14], $0x1, s19, s14, $0xb8;
	[tilespmem:$0x14800] =	vst v63  }
0x26: {  	_ =	swait.ge [sflag:s13], $0x80  }
0x27: {  	[sflag:s13] =	ssyncset.done $0x0  }
0x28: {  	s16 =	simm.s32 $0x0;
	[sflag:s13] =	ssyncadd.s32 $0xFFFFFF80  }
0x29: {  	v4 =	vld [tilespmem:s16+$0x200];
	_ =	sdelay $0x4  }
0x2a: {  	v5 =	vshra.s32 v4, $0x1  }
0x2b: {  	s29 =	sadd.s32 $0x0, s5;
	s30 =	sand.u32 $0x600, s2;
	v4 =	vand.u32 $0x1, v4;
	vm0 =	vgt.s32 v5, $0x0  }
0x2c: {  	v6 =	vor.u32 s29, v0;
	s29 =	sand.u32 $0x70, s2;
	s31 =	sshrl.u32 s30, $0x2;
	[tilespmem:s16+$0x200] =	vst v5;
	vm1 =	veq.s32 v4, $0x0;
	v5 =	vnsel vm0, $0x0, v5  }
0x2d: {  	s30 =	simm.s32 $0x40;
	s31 =	sor.u32 s29, s31;
	[tilespmem:s16+$0x400] =	vst v4;
	v5 =	vsel vm1, v6, v5  }
0x2e: {  	s29 =	simm.s32 $0x10;
	s0 =	simm.s32 $0x80;
	[tilespmem:s31+$0x600] =	vst v5;
	s31 =	simm.s32 $0x0  }
.LBB2_2:
0x2f: {  	p0 =	sne.s32 s0, $0x7C0;
	v4 =	vld [tilespmem:s29+$0x200];
	_ =	sdelay $0x4  }
.Ltmp0:
0x30: {  	s31 =	sadd.s32 $0x10, s31;
	v5 =	vshra.s32 v4, $0x1;
	(pc) =	sbr.rel @p0 .LBB2_2-.Ltmp0, $4  }
0x31: {  	s16 =	sand.u32 $0x600, s30;
	s30 =	smov.u32 s0;
	s1 =	sadd.s32 s31, s5;
	v4 =	vand.u32 $0x1, v4;
	vm0 =	vgt.s32 v5, $0x0;
	[tilespmem:s29+$0x200] =	vst v5  }
0x32: {  	s16 =	sshrl.u32 s16, $0x2;
	v6 =	vor.u32 s1, v0;
	s1 =	sand.u32 $0x70, s31;
	vm1 =	veq.s32 v4, $0x0;
	v5 =	vnsel vm0, $0x0, v5  }
0x33: {  	s1 =	sor.u32 s1, s16;
	v5 =	vsel vm1, v6, v5;
	[tilespmem:s29+$0x400] =	vst v4  }
0x34: {  	s0 =	sadd.s32 $0x40, s0;
	s29 =	sshra.s32 s30, $0x2;
	[tilespmem:s1+$0x600] =	vst v5  }
0x35: {  	v4 =	vld [tilespmem:s29+$0x200];
	_ =	sdelay $0x4  }
0x36: {  	s0 =	sadd.s32 $0x10, s31;
	v5 =	vshra.s32 v4, $0x1  }
0x37: {  	s16 =	sand.u32 $0x600, s30;
	s1 =	sadd.s32 s0, s5;
	v4 =	vand.u32 $0x1, v4;
	vm0 =	vgt.s32 v5, $0x0  }
0x38: {  	s0 =	sand.u32 $0x70, s0;
	s16 =	sshrl.u32 s16, $0x2;
	v6 =	vor.u32 s1, v0;
	[tilespmem:s29+$0x200] =	vst v5;
	vm1 =	veq.s32 v4, $0x0;
	v5 =	vnsel vm0, $0x0, v5  }
0x39: {  	s30 =	simm.s32 $0x0;
	s0 =	sor.u32 s0, s16;
	[tilespmem:s29+$0x400] =	vst v4;
	v5 =	vsel vm1, v6, v5  }
0x3a: {  	v4 =	vmov s30;
	[tilespmem:s0+$0x600] =	vst v5  }
0x3b: {  	[tilespmem:s22], [sflag:$0x1] =	stream.indirect.gather [hbm4b:s4+s14], $0x80, s21, s14, $0xb8;
	[tilespmem:$0x14800] =	vst v63  }
0x3c: {  	_ =	swait.ge [sflag:s13], $0x4000  }
0x3d: {  	[sflag:s13] =	ssyncset.done $0x0  }
0x3e: {  	[sflag:s13] =	ssyncadd.s32 $0xFFFFC000  }
0x3f: {  	v5 =	vshll.u32 v4, $0x7;
	v4 =	vld.idx.msk [tilespmem:v4+s23+$0x0], $0xffff  }
0x40: {  	v6 =	vor.u32 v0, v5;
	_ =	sdelay $0x3  }
0x41: {  	vm0 =	vne.s32 v4, $0x0  }
0x42: {  	v4 =	vld.idx.msk [tilespmem:v6+s22+$0x0], $0xffff  }
0x43: {  	v7 =	vor.u32 v1, v5;
	_ =	sdelay $0x3  }
0x44: {  	[tilespmem:v6+s12+$0x0] =	vst.idx.msk vm0, v4  }
0x45: {  	v4 =	vld.idx.msk [tilespmem:v7+s22+$0x0], $0xffff  }
0x46: {  	v6 =	vor.u32 v2, v5;
	_ =	sdelay $0x3  }
0x47: {  	[tilespmem:v7+s12+$0x0] =	vst.idx.msk vm0, v4  }
0x48: {  	v4 =	vld.idx.msk [tilespmem:v6+s22+$0x0], $0xffff  }
0x49: {  	v5 =	vor.u32 v3, v5;
	_ =	sdelay $0x3  }
0x4a: {  	[tilespmem:v6+s12+$0x0] =	vst.idx.msk vm0, v4  }
0x4b: {  	s31 =	simm.s32 $0x1;
	v7 =	vld.idx.msk [tilespmem:v5+s22+$0x0], $0xffff  }
0x4c: {  	v6 =	vmov s31  }
0x4d: {  	s29 =	simm.s32 $0x2;
	v4 =	vshll.u32 v6, $0x7  }
.LBB2_4:
0x4e: {  	_ =	sdelay $0x1  }
0x4f: {  	p0 =	sne.s32 s29, $0x7F;
	s0 =	smov.u32 s29;
	s29 =	sadd.s32 $0x1, s29;
	[tilespmem:v5+s12+$0x0] =	vst.idx.msk vm0, v7  }
0x50: {  	v5 =	vld.idx.msk [tilespmem:v6+s23+$0x0], $0xffff  }
0x51: {  	v6 =	vor.u32 v0, v4;
	_ =	sdelay $0x4  }
0x52: {  	vm0 =	vne.s32 v5, $0x0;
	v5 =	vld.idx.msk [tilespmem:v6+s22+$0x0], $0xffff;
	_ =	sdelay $0x1  }
0x53: {  	v7 =	vor.u32 v1, v4;
	_ =	sdelay $0x3  }
0x54: {  	[tilespmem:v6+s12+$0x0] =	vst.idx.msk vm0, v5  }
0x55: {  	v5 =	vld.idx.msk [tilespmem:v7+s22+$0x0], $0xffff;
	_ =	sdelay $0x1  }
0x56: {  	v6 =	vor.u32 v2, v4;
	_ =	sdelay $0x3  }
0x57: {  	[tilespmem:v7+s12+$0x0] =	vst.idx.msk vm0, v5  }
0x58: {  	v7 =	vld.idx.msk [tilespmem:v6+s22+$0x0], $0xffff;
	_ =	sdelay $0x1  }
0x59: {  	v5 =	vor.u32 v3, v4;
	_ =	sdelay $0x3  }
.Ltmp1:
0x5a: {  	[tilespmem:v6+s12+$0x0] =	vst.idx.msk vm0, v7;
	(pc) =	sbr.rel @p0 .LBB2_4-.Ltmp1, $3  }
0x5b: {  	v7 =	vld.idx.msk [tilespmem:v5+s22+$0x0], $0xffff;
	_ =	sdelay $0x1  }
0x5c: {  	v6 =	vmov s0  }
0x5d: {  	v4 =	vshll.u32 v6, $0x7  }
0x5e: {  	_ =	sdelay $0x4  }
0x5f: {  	[tilespmem:v5+s12+$0x0] =	vst.idx.msk vm0, v7  }
0x60: {  	v5 =	vld.idx.msk [tilespmem:v6+s23+$0x0], $0xffff  }
0x61: {  	v6 =	vor.u32 v0, v4;
	_ =	sdelay $0x3  }
0x62: {  	vm0 =	vne.s32 v5, $0x0  }
0x63: {  	v5 =	vld.idx.msk [tilespmem:v6+s22+$0x0], $0xffff  }
0x64: {  	v7 =	vor.u32 v1, v4;
	_ =	sdelay $0x3  }
0x65: {  	[tilespmem:v6+s12+$0x0] =	vst.idx.msk vm0, v5  }
0x66: {  	v5 =	vld.idx.msk [tilespmem:v7+s22+$0x0], $0xffff  }
0x67: {  	v6 =	vor.u32 v2, v4;
	_ =	sdelay $0x3  }
0x68: {  	[tilespmem:v7+s12+$0x0] =	vst.idx.msk vm0, v5  }
0x69: {  	v5 =	vld.idx.msk [tilespmem:v6+s22+$0x0], $0xffff  }
0x6a: {  	v4 =	vor.u32 v3, v4;
	_ =	sdelay $0x3  }
0x6b: {  	[tilespmem:v6+s12+$0x0] =	vst.idx.msk vm0, v5  }
0x6c: {  	v5 =	vld.idx.msk [tilespmem:v4+s22+$0x0], $0xffff;
	_ =	sdelay $0x3  }
0x6d: {  	s0 =	simm.s32 $0x80  }
0x6e: {  	[tilespmem:v4+s12+$0x0] =	vst.idx.msk vm0, v5;
	v4 =	vmov s0  }
0x6f: {  	[tilespmem:s22], [sflag:$0x1] =	stream.indirect.gather [hbm4b:s4+s14], $0x80, s24, s14, $0xb8;
	[tilespmem:$0x14800] =	vst v63  }
0x70: {  	_ =	swait.ge [sflag:s13], $0x4000  }
0x71: {  	[sflag:s13] =	ssyncset.done $0x0  }
0x72: {  	[sflag:s13] =	ssyncadd.s32 $0xFFFFC000  }
0x73: {  	s31 =	simm.s32 $0x0;
	v5 =	vld.idx.msk [tilespmem:v4+s23+$0x0], $0xffff  }
0x74: {  	v6 =	vor.u32 s31, v0;
	_ =	sdelay $0x3  }
0x75: {  	vm0 =	vne.s32 v5, $0x0;
	v5 =	vshll.u32 v4, $0x7  }
0x76: {  	v4 =	vld.idx.msk [tilespmem:v6+s22+$0x0], $0xffff;
	v6 =	vor.u32 v0, v5  }
0x77: {  	v7 =	vor.u32 s31, v1;
	_ =	sdelay $0x3  }
0x78: {  	[tilespmem:v6+s12+$0x0] =	vst.idx.msk vm0, v4  }
0x79: {  	v6 =	vor.u32 v1, v5;
	v4 =	vld.idx.msk [tilespmem:v7+s22+$0x0], $0xffff  }
0x7a: {  	v7 =	vor.u32 s31, v2;
	_ =	sdelay $0x3  }
0x7b: {  	[tilespmem:v6+s12+$0x0] =	vst.idx.msk vm0, v4  }
0x7c: {  	v6 =	vor.u32 v2, v5;
	v4 =	vld.idx.msk [tilespmem:v7+s22+$0x0], $0xffff  }
0x7d: {  	v7 =	vor.u32 s31, v3;
	_ =	sdelay $0x3  }
0x7e: {  	[tilespmem:v6+s12+$0x0] =	vst.idx.msk vm0, v4  }
0x7f: {  	s29 =	simm.s32 $0x1;
	s30 =	simm.s32 $0x2;
	s0 =	simm.s32 $0x81;
	v5 =	vor.u32 v3, v5;
	v4 =	vld.idx.msk [tilespmem:v7+s22+$0x0], $0xffff  }
.LBB2_6:
0x80: {  	p0 =	sne.s32 s30, $0x7F;
	v6 =	vmov s0;
	s0 =	sshll.u32 s29, $0x7;
	s29 =	smov.u32 s30  }
0x81: {  	v7 =	vor.u32 s0, v0;
	_ =	sdelay $0x2  }
0x82: {  	[tilespmem:v5+s12+$0x0] =	vst.idx.msk vm0, v4  }
0x83: {  	v4 =	vld.idx.msk [tilespmem:v6+s23+$0x0], $0xffff  }
0x84: {  	v5 =	vld.idx.msk [tilespmem:v7+s22+$0x0], $0xffff;
	_ =	sdelay $0x4  }
0x85: {  	v6 =	vshll.u32 v6, $0x7;
	vm0 =	vne.s32 v4, $0x0  }
0x86: {  	v4 =	vor.u32 v0, v6  }
0x87: {  	v7 =	vor.u32 s0, v1;
	_ =	sdelay $0x3  }
0x88: {  	[tilespmem:v4+s12+$0x0] =	vst.idx.msk vm0, v5  }
0x89: {  	v4 =	vld.idx.msk [tilespmem:v7+s22+$0x0], $0xffff  }
0x8a: {  	v5 =	vor.u32 v1, v6  }
0x8b: {  	v7 =	vor.u32 s0, v2;
	_ =	sdelay $0x3  }
0x8c: {  	[tilespmem:v5+s12+$0x0] =	vst.idx.msk vm0, v4  }
0x8d: {  	v4 =	vld.idx.msk [tilespmem:v7+s22+$0x0], $0xffff  }
0x8e: {  	v5 =	vor.u32 v2, v6  }
0x8f: {  	v7 =	vor.u32 s0, v3;
	_ =	sdelay $0x1  }
.Ltmp2:
0x90: {  	(pc) =	sbr.rel @p0 .LBB2_6-.Ltmp2, $4  }
0x91: {  	_ = 	snop  }
0x92: {  	[tilespmem:v5+s12+$0x0] =	vst.idx.msk vm0, v4  }
0x93: {  	v4 =	vld.idx.msk [tilespmem:v7+s22+$0x0], $0xffff  }
0x94: {  	s30 =	sadd.s32 $0x1, s30;
	s0 =	sadd.s32 $0x80, s29;
	v5 =	vor.u32 v3, v6  }
0x95: {  	_ = 	snop  }
0x96: {  	v6 =	vmov s0;
	_ =	sdelay $0x3  }
0x97: {  	[tilespmem:v5+s12+$0x0] =	vst.idx.msk vm0, v4  }
0x98: {  	s1 =	sshll.u32 s29, $0x7;
	v4 =	vld.idx.msk [tilespmem:v6+s23+$0x0], $0xffff  }
0x99: {  	v5 =	vor.u32 s1, v0;
	_ =	sdelay $0x3  }
0x9a: {  	vm0 =	vne.s32 v4, $0x0;
	v4 =	vshll.u32 v6, $0x7  }
0x9b: {  	v5 =	vld.idx.msk [tilespmem:v5+s22+$0x0], $0xffff;
	v6 =	vor.u32 v0, v4  }
0x9c: {  	v7 =	vor.u32 s1, v1;
	_ =	sdelay $0x3  }
0x9d: {  	[tilespmem:v6+s12+$0x0] =	vst.idx.msk vm0, v5  }
0x9e: {  	v6 =	vor.u32 v1, v4;
	v5 =	vld.idx.msk [tilespmem:v7+s22+$0x0], $0xffff  }
0x9f: {  	v7 =	vor.u32 s1, v2;
	_ =	sdelay $0x3  }
0xa0: {  	[tilespmem:v6+s12+$0x0] =	vst.idx.msk vm0, v5  }
0xa1: {  	v6 =	vor.u32 v2, v4;
	v5 =	vld.idx.msk [tilespmem:v7+s22+$0x0], $0xffff  }
0xa2: {  	v7 =	vor.u32 s1, v3;
	_ =	sdelay $0x3  }
0xa3: {  	[tilespmem:v6+s12+$0x0] =	vst.idx.msk vm0, v5  }
0xa4: {  	v4 =	vor.u32 v3, v4;
	v5 =	vld.idx.msk [tilespmem:v7+s22+$0x0], $0xffff;
	_ =	sdelay $0x3  }
0xa5: {  	s16 =	simm.s32 $0x100  }
0xa6: {  	[tilespmem:v4+s12+$0x0] =	vst.idx.msk vm0, v5;
	v4 =	vmov s16  }
0xa7: {  	[tilespmem:s22], [sflag:$0x1] =	stream.indirect.gather [hbm4b:s4+s14], $0x80, s25, s14, $0xb8;
	[tilespmem:$0x14800] =	vst v63  }
0xa8: {  	_ =	swait.ge [sflag:s13], $0x4000  }
0xa9: {  	[sflag:s13] =	ssyncset.done $0x0  }
0xaa: {  	[sflag:s13] =	ssyncadd.s32 $0xFFFFC000  }
0xab: {  	s31 =	simm.s32 $0x0;
	v5 =	vld.idx.msk [tilespmem:v4+s23+$0x0], $0xffff  }
0xac: {  	v6 =	vor.u32 s31, v0;
	_ =	sdelay $0x3  }
0xad: {  	vm0 =	vne.s32 v5, $0x0;
	v5 =	vshll.u32 v4, $0x7  }
0xae: {  	v4 =	vld.idx.msk [tilespmem:v6+s22+$0x0], $0xffff;
	v6 =	vor.u32 v0, v5  }
0xaf: {  	v7 =	vor.u32 s31, v1;
	_ =	sdelay $0x3  }
0xb0: {  	[tilespmem:v6+s12+$0x0] =	vst.idx.msk vm0, v4  }
0xb1: {  	v6 =	vor.u32 v1, v5;
	v4 =	vld.idx.msk [tilespmem:v7+s22+$0x0], $0xffff  }
0xb2: {  	v7 =	vor.u32 s31, v2;
	_ =	sdelay $0x3  }
0xb3: {  	[tilespmem:v6+s12+$0x0] =	vst.idx.msk vm0, v4  }
0xb4: {  	v6 =	vor.u32 v2, v5;
	v4 =	vld.idx.msk [tilespmem:v7+s22+$0x0], $0xffff  }
0xb5: {  	v7 =	vor.u32 s31, v3;
	_ =	sdelay $0x3  }
0xb6: {  	[tilespmem:v6+s12+$0x0] =	vst.idx.msk vm0, v4  }
0xb7: {  	s29 =	simm.s32 $0x1;
	s0 =	simm.s32 $0x101;
	s30 =	simm.s32 $0x2;
	v5 =	vor.u32 v3, v5;
	v4 =	vld.idx.msk [tilespmem:v7+s22+$0x0], $0xffff  }
.LBB2_8:
0xb8: {  	p0 =	sne.s32 s30, $0x7F;
	v6 =	vmov s0;
	s0 =	sshll.u32 s29, $0x7;
	s29 =	smov.u32 s30  }
0xb9: {  	v7 =	vor.u32 s0, v0;
	_ =	sdelay $0x2  }
0xba: {  	[tilespmem:v5+s12+$0x0] =	vst.idx.msk vm0, v4  }
0xbb: {  	v4 =	vld.idx.msk [tilespmem:v6+s23+$0x0], $0xffff  }
0xbc: {  	v5 =	vld.idx.msk [tilespmem:v7+s22+$0x0], $0xffff;
	_ =	sdelay $0x4  }
0xbd: {  	v6 =	vshll.u32 v6, $0x7;
	vm0 =	vne.s32 v4, $0x0  }
0xbe: {  	v4 =	vor.u32 v0, v6  }
0xbf: {  	v7 =	vor.u32 s0, v1;
	_ =	sdelay $0x3  }
0xc0: {  	[tilespmem:v4+s12+$0x0] =	vst.idx.msk vm0, v5  }
0xc1: {  	v4 =	vld.idx.msk [tilespmem:v7+s22+$0x0], $0xffff  }
0xc2: {  	v5 =	vor.u32 v1, v6  }
0xc3: {  	v7 =	vor.u32 s0, v2;
	_ =	sdelay $0x3  }
0xc4: {  	[tilespmem:v5+s12+$0x0] =	vst.idx.msk vm0, v4  }
0xc5: {  	v4 =	vld.idx.msk [tilespmem:v7+s22+$0x0], $0xffff  }
0xc6: {  	v5 =	vor.u32 v2, v6  }
0xc7: {  	v7 =	vor.u32 s0, v3;
	_ =	sdelay $0x1  }
.Ltmp3:
0xc8: {  	(pc) =	sbr.rel @p0 .LBB2_8-.Ltmp3, $4  }
0xc9: {  	_ = 	snop  }
0xca: {  	[tilespmem:v5+s12+$0x0] =	vst.idx.msk vm0, v4  }
0xcb: {  	v4 =	vld.idx.msk [tilespmem:v7+s22+$0x0], $0xffff  }
0xcc: {  	s30 =	sadd.s32 $0x1, s30;
	s0 =	sadd.s32 $0x100, s29;
	v5 =	vor.u32 v3, v6  }
0xcd: {  	_ = 	snop  }
0xce: {  	v6 =	vmov s0;
	_ =	sdelay $0x3  }
0xcf: {  	[tilespmem:v5+s12+$0x0] =	vst.idx.msk vm0, v4  }
0xd0: {  	s1 =	sshll.u32 s29, $0x7;
	v4 =	vld.idx.msk [tilespmem:v6+s23+$0x0], $0xffff  }
0xd1: {  	v5 =	vor.u32 s1, v0;
	_ =	sdelay $0x3  }
0xd2: {  	vm0 =	vne.s32 v4, $0x0;
	v4 =	vshll.u32 v6, $0x7  }
0xd3: {  	v5 =	vld.idx.msk [tilespmem:v5+s22+$0x0], $0xffff;
	v6 =	vor.u32 v0, v4  }
0xd4: {  	v7 =	vor.u32 s1, v1;
	_ =	sdelay $0x3  }
0xd5: {  	[tilespmem:v6+s12+$0x0] =	vst.idx.msk vm0, v5  }
0xd6: {  	v6 =	vor.u32 v1, v4;
	v5 =	vld.idx.msk [tilespmem:v7+s22+$0x0], $0xffff  }
0xd7: {  	v7 =	vor.u32 s1, v2;
	_ =	sdelay $0x3  }
0xd8: {  	[tilespmem:v6+s12+$0x0] =	vst.idx.msk vm0, v5  }
0xd9: {  	v6 =	vor.u32 v2, v4;
	v5 =	vld.idx.msk [tilespmem:v7+s22+$0x0], $0xffff  }
0xda: {  	v7 =	vor.u32 s1, v3;
	_ =	sdelay $0x3  }
0xdb: {  	[tilespmem:v6+s12+$0x0] =	vst.idx.msk vm0, v5  }
0xdc: {  	v4 =	vor.u32 v3, v4;
	v5 =	vld.idx.msk [tilespmem:v7+s22+$0x0], $0xffff;
	_ =	sdelay $0x3  }
0xdd: {  	s16 =	simm.s32 $0x180  }
0xde: {  	[tilespmem:v4+s12+$0x0] =	vst.idx.msk vm0, v5;
	v4 =	vmov s16  }
0xdf: {  	[tilespmem:s22], [sflag:$0x1] =	stream.indirect.gather [hbm4b:s4+s14], $0x80, s26, s14, $0xb8;
	[tilespmem:$0x14800] =	vst v63  }
0xe0: {  	_ =	swait.ge [sflag:s13], $0x4000  }
0xe1: {  	[sflag:s13] =	ssyncset.done $0x0  }
0xe2: {  	[sflag:s13] =	ssyncadd.s32 $0xFFFFC000  }
0xe3: {  	s31 =	simm.s32 $0x0;
	v5 =	vld.idx.msk [tilespmem:v4+s23+$0x0], $0xffff  }
0xe4: {  	v6 =	vor.u32 s31, v0;
	_ =	sdelay $0x3  }
0xe5: {  	vm0 =	vne.s32 v5, $0x0;
	v5 =	vshll.u32 v4, $0x7  }
0xe6: {  	v4 =	vld.idx.msk [tilespmem:v6+s22+$0x0], $0xffff;
	v6 =	vor.u32 v0, v5  }
0xe7: {  	v7 =	vor.u32 s31, v1;
	_ =	sdelay $0x3  }
0xe8: {  	[tilespmem:v6+s12+$0x0] =	vst.idx.msk vm0, v4  }
0xe9: {  	v6 =	vor.u32 v1, v5;
	v4 =	vld.idx.msk [tilespmem:v7+s22+$0x0], $0xffff  }
0xea: {  	v7 =	vor.u32 s31, v2;
	_ =	sdelay $0x3  }
0xeb: {  	[tilespmem:v6+s12+$0x0] =	vst.idx.msk vm0, v4  }
0xec: {  	v6 =	vor.u32 v2, v5;
	v4 =	vld.idx.msk [tilespmem:v7+s22+$0x0], $0xffff  }
0xed: {  	v7 =	vor.u32 s31, v3;
	_ =	sdelay $0x3  }
0xee: {  	[tilespmem:v6+s12+$0x0] =	vst.idx.msk vm0, v4  }
0xef: {  	s29 =	simm.s32 $0x1;
	s0 =	simm.s32 $0x181;
	s30 =	simm.s32 $0x2;
	v5 =	vor.u32 v3, v5;
	v4 =	vld.idx.msk [tilespmem:v7+s22+$0x0], $0xffff  }
.LBB2_10:
0xf0: {  	p0 =	sne.s32 s30, $0x7F;
	v6 =	vmov s0;
	s0 =	sshll.u32 s29, $0x7;
	s29 =	smov.u32 s30  }
0xf1: {  	v7 =	vor.u32 s0, v0;
	_ =	sdelay $0x2  }
0xf2: {  	[tilespmem:v5+s12+$0x0] =	vst.idx.msk vm0, v4  }
0xf3: {  	v4 =	vld.idx.msk [tilespmem:v6+s23+$0x0], $0xffff  }
0xf4: {  	v5 =	vld.idx.msk [tilespmem:v7+s22+$0x0], $0xffff;
	_ =	sdelay $0x4  }
0xf5: {  	v6 =	vshll.u32 v6, $0x7;
	vm0 =	vne.s32 v4, $0x0  }
0xf6: {  	v4 =	vor.u32 v0, v6  }
0xf7: {  	v7 =	vor.u32 s0, v1;
	_ =	sdelay $0x3  }
0xf8: {  	[tilespmem:v4+s12+$0x0] =	vst.idx.msk vm0, v5  }
0xf9: {  	v4 =	vld.idx.msk [tilespmem:v7+s22+$0x0], $0xffff  }
0xfa: {  	v5 =	vor.u32 v1, v6  }
0xfb: {  	v7 =	vor.u32 s0, v2;
	_ =	sdelay $0x3  }
0xfc: {  	[tilespmem:v5+s12+$0x0] =	vst.idx.msk vm0, v4  }
0xfd: {  	v4 =	vld.idx.msk [tilespmem:v7+s22+$0x0], $0xffff  }
0xfe: {  	v5 =	vor.u32 v2, v6  }
0xff: {  	v7 =	vor.u32 s0, v3;
	_ =	sdelay $0x1  }
.Ltmp4:
0x100: {  	(pc) =	sbr.rel @p0 .LBB2_10-.Ltmp4, $4  }
0x101: {  	_ = 	snop  }
0x102: {  	[tilespmem:v5+s12+$0x0] =	vst.idx.msk vm0, v4  }
0x103: {  	v4 =	vld.idx.msk [tilespmem:v7+s22+$0x0], $0xffff  }
0x104: {  	s30 =	sadd.s32 $0x1, s30;
	s0 =	sadd.s32 $0x180, s29;
	v5 =	vor.u32 v3, v6  }
0x105: {  	_ = 	snop  }
0x106: {  	v6 =	vmov s0;
	_ =	sdelay $0x3  }
0x107: {  	[tilespmem:v5+s12+$0x0] =	vst.idx.msk vm0, v4  }
0x108: {  	s31 =	sshll.u32 s29, $0x7;
	v4 =	vld.idx.msk [tilespmem:v6+s23+$0x0], $0xffff  }
0x109: {  	v5 =	vor.u32 s31, v0;
	_ =	sdelay $0x3  }
0x10a: {  	vm15 =	vne.s32 v4, $0x0;
	v4 =	vshll.u32 v6, $0x7  }
0x10b: {  	v5 =	vld.idx.msk [tilespmem:v5+s22+$0x0], $0xffff;
	v6 =	vor.u32 v0, v4  }
0x10c: {  	v7 =	vor.u32 s31, v1;
	_ =	sdelay $0x3  }
0x10d: {  	[tilespmem:v6+s12+$0x0] =	vst.idx.msk vm15, v5  }
0x10e: {  	v60 =	vor.u32 v1, v4;
	v5 =	vld.idx.msk [tilespmem:v7+s22+$0x0], $0xffff  }
0x10f: {  	v61 =	vor.u32 s31, v2;
	_ =	sdelay $0x3  }
0x110: {  	[tilespmem:v60+s12+$0x0] =	vst.idx.msk vm15, v5  }
0x111: {  	v62 =	vor.u32 v2, v4;
	v5 =	vld.idx.msk [tilespmem:v61+s22+$0x0], $0xffff  }
0x112: {  	v63 =	vor.u32 s31, v3;
	_ =	sdelay $0x3  }
0x113: {  	[tilespmem:v62+s12+$0x0] =	vst.idx.msk vm15, v5  }
0x114: {  	v4 =	vor.u32 v3, v4;
	v5 =	vld.idx.msk [tilespmem:v63+s22+$0x0], $0xffff;
	_ =	sdelay $0x4  }
0x115: {  	[tilespmem:v4+s12+$0x0] =	vst.idx.msk vm15, v5  }
0x116: {  	[hbm4b:s8+s2] =	stream.linear.scatter [tilespmem:s12], [sflag:$0x2], $0x10000, $0x38;
	[tilespmem:$0x14800] =	vst v63  }
0x117: {  	s28 =	sadd.s32 $0x1, s28;
	_ =	swait.ge [sflag:s11], $0x10000  }
0x118: {  	p0 =	sne.s32 s28, s10;
	[sflag:s11] =	ssyncset.done $0x0  }
.Ltmp5:
0x119: {  	[sflag:s11] =	ssyncadd.s32 $0xFFFF0000;
	(pc) =	sbr.rel @p0 .LBB2_1-.Ltmp5, $4  }
0x11a: {  	[hbm4b:s9+s2] =	stream.linear.scatter [tilespmem:s15], [sflag:$0x2], $0x200, $0x38;
	[tilespmem:$0x14800] =	vst v63  }
0x11b: {  	_ =	swait.ge [sflag:s11], $0x200  }
0x11c: {  	[sflag:s11] =	ssyncset.done $0x0  }
0x11d: {  	[sflag:s11] =	ssyncadd.s32 $0xFFFFFE00  }
0x11e: {  	_ =	sfence.sel $0x180000  }
0x11f: {  	[bflag:$0x0] =	sbarrier.arrive $0xFFFF  }
0x120: {  	_ =	strace $0x90000047  }
0x121: {  	s0 =	stileid.u32;
	[bflag:$0x2] =	sbarrier.arrive $0xFFFF  }
0x122: {  	p0 =	sne.s32 s0, $0x0;
	s0 =	rddreg [dreg:$0x4]  }
0x123: {  	s0 =	sadd.s32 @!p0 $0x100000, s0  }
0x124: {  	[sflag:s0] =	ssyncadd.tile.s32 @!p0 $0x1;
	_ =	shalt  }
.Lfunc_end2:
_tile_overlayer_lowered:
.L_overlay_start_2:
0x125: {  	(tag) =	ssettag $0x2  }
0x126: {  	s0 =	rddreg [dreg:$0x0];
	s2 =	stileid.u32  }
0x127: {  	s1 =	rddreg [dreg:$0x1];
	p0 =	sne.s32 s2, $0x0  }
0x128: {  	s3 =	rddreg [dreg:$0x2];
	[bflag:$0x3] =	sbarrier.arrive $0xFFFF;
	s2 =	simm.s32 @!p0 $0x1C02  }
0x129: {  	[timem:s3], [sflag:s2] =	dma.local @!p0 [hbm:s0], s1  }
0x12a: {  	s0 =	simm.s32 @!p0 $0x2  }
0x12b: {  	_ =	swait.ge @!p0 [sflag:s0], s1  }
0x12c: {  	s1 =	ssub.s32 @!p0 $0x0, s1;
	[sflag:s0] =	ssyncset.done @!p0 $0x0  }
0x12d: {  	[sflag:s0] =	ssyncadd.s32 @!p0 s1  }
0x12e: {  	[bflag:$0x3] =	sbarrier.arrive $0xFFFF  }
0x12f: {  	_ =	shalt  }

</sc_bundles>
